<compile_context>
chip_gen: v7x
topology: tpu7x:2x2x1
jax: 0.10.2.dev20260603
libtpu: 0.0.44.dev20260713+nightly
codegen_flags: <defaults>
</compile_context>

<pallas_src>
import functools

import jax
import jax.numpy as jnp
from jax import lax
from jax.experimental import pallas as pl
from jax.experimental.pallas import tpu as pltpu
from jax.experimental.pallas import tpu_sc as plsc

_NC = 2
_NS = 16
_NW = _NC * _NS
_L = 16


def _round_up(a, b):
    return (a + b - 1) // b * b


def _proj_body(x_ref, w1_ref, b1_ref, w2_ref, s_ref):
    xb = x_ref[...]
    h = jnp.maximum(
        lax.dot_general(xb, w1_ref[...], (((1,), (1,)), ((), ())),
                        preferred_element_type=jnp.float32,
                        precision=lax.Precision.HIGHEST)
        + b1_ref[...][None, :],
        0.0,
    )
    s_ref[...] = lax.dot_general(h, w2_ref[...], (((1,), (1,)), ((), ())),
                                 preferred_element_type=jnp.float32,
                                 precision=lax.Precision.HIGHEST)


def _node_scalar(x, W1, b1, W2, block_rows):
    n, d_in = x.shape
    d_hid = W1.shape[0]
    grid = n // block_rows
    return pl.pallas_call(
        _proj_body,
        grid=(grid,),
        in_specs=[
            pl.BlockSpec((block_rows, d_in), lambda i: (i, 0)),
            pl.BlockSpec((d_hid, d_in), lambda i: (0, 0)),
            pl.BlockSpec((d_hid,), lambda i: (0,)),
            pl.BlockSpec((1, d_hid), lambda i: (0, 0)),
        ],
        out_specs=pl.BlockSpec((block_rows, 1), lambda i: (i, 0)),
        out_shape=jax.ShapeDtypeStruct((n, 1), jnp.float32),
    )(x, W1, b1, W2)


_UNROLL = 8


def _make_sc_scatter(n_nodes, n_pad, ept):
    mesh = plsc.VectorSubcoreMesh(
        core_axis_name="c", subcore_axis_name="s",
        num_cores=1, num_subcores=_NS)

    ept_pad = _round_up(ept, _L)
    n_full = ept // _L
    rem = ept - n_full * _L
    rows = n_pad // _NS

    tail_rows = n_nodes - (_NS - 1) * rows

    @functools.partial(
        pl.kernel,
        out_type=jax.ShapeDtypeStruct((n_nodes,), jnp.float32),
        mesh=mesh,
        scratch_types=[
            pltpu.VMEM((n_nodes,), jnp.float32),
            pltpu.VMEM((n_pad,), jnp.float32),
            pltpu.VMEM((n_pad,), jnp.float32),
            pltpu.VMEM((ept_pad,), jnp.int32),
            pltpu.VMEM((ept_pad,), jnp.int32),
            pltpu.VMEM((_NS, rows), jnp.float32),
            pltpu.VMEM((_NS, rows), jnp.float32),
            pltpu.VMEM((rows,), jnp.float32),
            pltpu.VMEM((_L,), jnp.float32),
            pltpu.VMEM_SHARED((_NS, n_pad), jnp.float32),
            pltpu.VMEM_SHARED((_NS, n_pad), jnp.float32),
            pltpu.SemaphoreType.DMA,
        ],
        compiler_params=pltpu.CompilerParams(
            use_tc_tiling_on_sc=False, needs_layout_passes=False),
    )
    def sc_scatter(s_hbm, ei_hbm, b2_hbm, out_hbm,
                   s_v, acc_v, cnt_v, src_v, dst_v,
                   red_v, redc_v, out_v, b2_v, sh_acc, sh_cnt, sem):
        sid = lax.axis_index("s")
        base = sid * ept

        cp_s = pltpu.async_copy(s_hbm, s_v, sem)
        cp_src = pltpu.async_copy(ei_hbm.at[0, pl.ds(base, ept)],
                                  src_v.at[pl.ds(0, ept)], sem)
        cp_dst = pltpu.async_copy(ei_hbm.at[1, pl.ds(base, ept)],
                                  dst_v.at[pl.ds(0, ept)], sem)
        cp_b2 = pltpu.async_copy(b2_hbm, b2_v.at[pl.ds(0, 1)], sem)

        zeros = jnp.zeros((_L,), jnp.float32)

        def zero_body(i, carry):
            for u in range(_UNROLL):
                acc_v[pl.ds((i * _UNROLL + u) * _L, _L)] = zeros
                cnt_v[pl.ds((i * _UNROLL + u) * _L, _L)] = zeros
            return carry

        lax.fori_loop(0, n_pad // (_L * _UNROLL), zero_body, 0)

        cp_s.wait()
        cp_src.wait()
        cp_dst.wait()
        cp_b2.wait()

        ones = jnp.ones((_L,), jnp.float32)

        def edge_group(g):
            sidx = src_v[pl.ds(g * _L, _L)]
            didx = dst_v[pl.ds(g * _L, _L)]
            vals = plsc.load_gather(s_v, [sidx])
            plsc.addupdate_scatter(acc_v, [didx], vals)
            plsc.addupdate_scatter(cnt_v, [didx], ones)

        def edge_body(i, carry):
            for u in range(_UNROLL):
                edge_group(i * _UNROLL + u)
            return carry

        lax.fori_loop(0, n_full // _UNROLL, edge_body, 0)
        for g in range(n_full // _UNROLL * _UNROLL, n_full):
            edge_group(g)

        if rem:
            lane = lax.iota(jnp.int32, _L)
            valid = lane < rem
            sidx = jnp.where(valid, src_v[pl.ds(n_full * _L, _L)], 0)
            didx = jnp.where(valid, dst_v[pl.ds(n_full * _L, _L)], n_nodes)
            vals = plsc.load_gather(s_v, [sidx])
            plsc.addupdate_scatter(acc_v, [didx], vals)
            plsc.addupdate_scatter(
                cnt_v, [didx], jnp.where(valid, ones, jnp.zeros((_L,))))

        cp_pa = pltpu.async_copy(acc_v, sh_acc.at[sid], sem)
        cp_pc = pltpu.async_copy(cnt_v, sh_cnt.at[sid], sem)
        cp_pa.wait()
        cp_pc.wait()
        plsc.subcore_barrier()

        cp_ra = pltpu.async_copy(sh_acc.at[:, pl.ds(sid * rows, rows)],
                                 red_v, sem)
        cp_rc = pltpu.async_copy(sh_cnt.at[:, pl.ds(sid * rows, rows)],
                                 redc_v, sem)
        cp_ra.wait()

        def red_sum_body(j, carry):
            v = red_v[0, pl.ds(j * _L, _L)]
            for r in range(1, _NS):
                v = v + red_v[r, pl.ds(j * _L, _L)]
            out_v[pl.ds(j * _L, _L)] = v
            return carry

        lax.fori_loop(0, rows // _L, red_sum_body, 0)

        cp_rc.wait()
        b2v = jnp.full((_L,), b2_v[...][0], jnp.float32)

        def red_cnt_body(j, carry):
            c = redc_v[0, pl.ds(j * _L, _L)]
            for r in range(1, _NS):
                c = c + redc_v[r, pl.ds(j * _L, _L)]
            sl = pl.ds(j * _L, _L)
            out_v[sl] = out_v[sl] / jnp.maximum(c, 1.0) + b2v
            return carry

        lax.fori_loop(0, rows // _L, red_cnt_body, 0)

        @pl.when(sid != _NS - 1)
        def _():
            pltpu.sync_copy(out_v, out_hbm.at[pl.ds(sid * rows, rows)])

        @pl.when(sid == _NS - 1)
        def _():
            pltpu.sync_copy(out_v.at[pl.ds(0, tail_rows)],
                            out_hbm.at[pl.ds((_NS - 1) * rows, tail_rows)])

    return sc_scatter


@jax.jit
def kernel(x, edge_index, W1, b1, W2, b2):
    n, _ = x.shape
    e = edge_index.shape[1]

    ept = -(-e // _NS)
    n_pad = _round_up(n + 1, 1024)

    s_flat = _node_scalar(x, W1, b1, W2, block_rows=5000).reshape(n)

    ei = edge_index.astype(jnp.int32)

    out_vec = _make_sc_scatter(n, n_pad, ept)(s_flat, ei, b2.astype(jnp.float32))
    return out_vec[:, None]

# --- scband reference (transcript-rebuilt; emitter-appended) ---
"""Pipeline reference for scband-gnnaniso-5377299055108 (READ-ONLY COPY).

The authoritative reference and input builder live on the scoring server;
editing this copy changes nothing except your own understanding.
"""

import jax, jax.numpy as jnp
import numpy as np

N_NODES = 10000
N_EDGES = 160000
D_IN = 256
D_HID = 256

def setup_inputs(seed: int = 0) -> dict:
    key = jax.random.key(seed)
    k1, k2, k3, k4, k5, k6 = jax.random.split(key, 6)
    x = jax.random.normal(k1, (N_NODES, D_IN), dtype=jnp.float32)
    edge_index = jax.random.randint(k2, (2, N_EDGES), 0, N_NODES, dtype=jnp.int64)
    # Linear(N=256 -> N_fl=256) params (PyTorch layout: W [out, in])
    bound1 = 1.0 / np.sqrt(D_IN)
    W1 = jax.random.uniform(k3, (D_HID, D_IN), dtype=jnp.float32, minval=-bound1, maxval=bound1)
    b1 = jax.random.uniform(k4, (D_HID,), dtype=jnp.float32, minval=-bound1, maxval=bound1)
    # Linear(N_fl=256 -> 1)
    bound2 = 1.0 / np.sqrt(D_HID)
    W2 = jax.random.uniform(k5, (1, D_HID), dtype=jnp.float32, minval=-bound2, maxval=bound2)
    b2 = jax.random.uniform(k6, (1,), dtype=jnp.float32, minval=-bound2, maxval=bound2)
    return {"x": x, "edge_index": edge_index, "W1": W1, "b1": b1, "W2": W2, "b2": b2}

def reference(x, edge_index, W1, b1, W2, b2):
    # MyConv: h = relu(Linear(x)); propagate with aggr='mean' (message = x_j, i.e. source node feats)
    h = jax.nn.relu(x @ W1.T + b1)
    src = edge_index[0]
    dst = edge_index[1]
    msg = jnp.take(h, src, axis=0)  # gather source-node features per edge
    agg_sum = jax.ops.segment_sum(msg, dst, num_segments=N_NODES)
    cnt = jax.ops.segment_sum(jnp.ones((msg.shape[0],), dtype=h.dtype), dst, num_segments=N_NODES)
    agg = agg_sum / jnp.maximum(cnt, 1.0)[:, None]  # mean; isolated nodes -> 0
    out = agg @ W2.T + b2
    return out

if __name__ == "__main__":
    import jax
    _d = setup_inputs()
    print(jax.jit(kernel)(*tuple(_d.values())))

</pallas_src>

<mosaic_0001>
#map = affine_map<(d0, d1) -> (0)>
#map1 = affine_map<(d0, d1) -> (0, 0)>
module attributes {stable_mosaic.version = 14 : i64} {
  func.func @sc_scatter(%arg0: i32, %arg1: i32, %arg2: memref<10000xf32, #tpu.memory_space<hbm>>, %arg3: memref<2x160000xi32, #tpu.memory_space<hbm>>, %arg4: memref<1xf32, #tpu.memory_space<hbm>>, %arg5: memref<10000xf32, #tpu.memory_space<hbm>>, %arg6: memref<10000xf32, #tpu.memory_space<vmem>>, %arg7: memref<10240xf32, #tpu.memory_space<vmem>>, %arg8: memref<10240xf32, #tpu.memory_space<vmem>>, %arg9: memref<10000xi32, #tpu.memory_space<vmem>>, %arg10: memref<10000xi32, #tpu.memory_space<vmem>>, %arg11: memref<16x640xf32, #tpu.memory_space<vmem>>, %arg12: memref<16x640xf32, #tpu.memory_space<vmem>>, %arg13: memref<640xf32, #tpu.memory_space<vmem>>, %arg14: memref<16xf32, #tpu.memory_space<vmem>>, %arg15: memref<16x10240xf32, #tpu.memory_space<vmem_shared>>, %arg16: memref<16x10240xf32, #tpu.memory_space<vmem_shared>>, %arg17: memref<!tpu.dma_semaphore, #tpu.memory_space<semaphore_mem>>) attributes {dimension_semantics = [#tpu.dimension_semantics<core_parallel>, #tpu.dimension_semantics<subcore_parallel>], iteration_bounds = array<i64: 1, 16>, scalar_prefetch = 0 : i64, scratch_operands = 12 : i64, tpu.core_type = #tpu.core_type<sc_vector_subcore>, window_params = [{transform_indices = #map}, {transform_indices = #map1}, {transform_indices = #map}, {transform_indices = #map}]} {
    %mul3A = arith.constant 10000 : i32
    %mul3A_0 = arith.muli %arg1, %mul3A : i32
    tpu.enqueue_dma source(%arg2 : memref<10000xf32, #tpu.memory_space<hbm>>) target(%arg6 : memref<10000xf32, #tpu.memory_space<vmem>>) target_semaphore(%arg17 : memref<!tpu.dma_semaphore, #tpu.memory_space<semaphore_mem>>)
    %dma_start3A = arith.constant 0 : i32
    %dma_start3A_1 = arith.constant 0 : i32
    %dma_start3A_2 = tpu.memref_slice %arg9[%dma_start3A_1] : memref<10000xi32, #tpu.memory_space<vmem>> -> memref<10000xi32, #tpu.memory_space<vmem>>
    %dma_start3A_3 = tpu.memref_slice %arg3[%dma_start3A, %mul3A_0] : memref<2x160000xi32, #tpu.memory_space<hbm>> -> memref<1x10000xi32, #tpu.memory_space<hbm>>
    %dma_start3A_4 = tpu.memref_squeeze %dma_start3A_3 : memref<1x10000xi32, #tpu.memory_space<hbm>> -> memref<10000xi32, #tpu.memory_space<hbm>>
    %dma_start3A_5 = arith.constant 0 : i32
    %dma_start3A_6 = tpu.memref_slice %arg9[%dma_start3A_5] : memref<10000xi32, #tpu.memory_space<vmem>> -> memref<10000xi32, #tpu.memory_space<vmem>>
    %dma_start3A_7 = tpu.memref_slice %arg3[%dma_start3A, %mul3A_0] : memref<2x160000xi32, #tpu.memory_space<hbm>> -> memref<1x10000xi32, #tpu.memory_space<hbm>>
    %dma_start3A_8 = tpu.memref_squeeze %dma_start3A_7 : memref<1x10000xi32, #tpu.memory_space<hbm>> -> memref<10000xi32, #tpu.memory_space<hbm>>
    tpu.enqueue_dma source(%dma_start3A_8 : memref<10000xi32, #tpu.memory_space<hbm>>) target(%dma_start3A_6 : memref<10000xi32, #tpu.memory_space<vmem>>) target_semaphore(%arg17 : memref<!tpu.dma_semaphore, #tpu.memory_space<semaphore_mem>>)
    %dma_start3A_9 = arith.constant 1 : i32
    %dma_start3A_10 = arith.constant 0 : i32
    %dma_start3A_11 = tpu.memref_slice %arg10[%dma_start3A_10] : memref<10000xi32, #tpu.memory_space<vmem>> -> memref<10000xi32, #tpu.memory_space<vmem>>
    %dma_start3A_12 = tpu.memref_slice %arg3[%dma_start3A_9, %mul3A_0] : memref<2x160000xi32, #tpu.memory_space<hbm>> -> memref<1x10000xi32, #tpu.memory_space<hbm>>
    %dma_start3A_13 = tpu.memref_squeeze %dma_start3A_12 : memref<1x10000xi32, #tpu.memory_space<hbm>> -> memref<10000xi32, #tpu.memory_space<hbm>>
    %dma_start3A_14 = arith.constant 0 : i32
    %dma_start3A_15 = tpu.memref_slice %arg10[%dma_start3A_14] : memref<10000xi32, #tpu.memory_space<vmem>> -> memref<10000xi32, #tpu.memory_space<vmem>>
    %dma_start3A_16 = tpu.memref_slice %arg3[%dma_start3A_9, %mul3A_0] : memref<2x160000xi32, #tpu.memory_space<hbm>> -> memref<1x10000xi32, #tpu.memory_space<hbm>>
    %dma_start3A_17 = tpu.memref_squeeze %dma_start3A_16 : memref<1x10000xi32, #tpu.memory_space<hbm>> -> memref<10000xi32, #tpu.memory_space<hbm>>
    tpu.enqueue_dma source(%dma_start3A_17 : memref<10000xi32, #tpu.memory_space<hbm>>) target(%dma_start3A_15 : memref<10000xi32, #tpu.memory_space<vmem>>) target_semaphore(%arg17 : memref<!tpu.dma_semaphore, #tpu.memory_space<semaphore_mem>>)
    %dma_start3A_18 = arith.constant 0 : i32
    %dma_start3A_19 = tpu.memref_slice %arg14[%dma_start3A_18] : memref<16xf32, #tpu.memory_space<vmem>> -> memref<1xf32, #tpu.memory_space<vmem>>
    %dma_start3A_20 = arith.constant 0 : i32
    %dma_start3A_21 = tpu.memref_slice %arg14[%dma_start3A_20] : memref<16xf32, #tpu.memory_space<vmem>> -> memref<1xf32, #tpu.memory_space<vmem>>
    tpu.enqueue_dma source(%arg4 : memref<1xf32, #tpu.memory_space<hbm>>) target(%dma_start3A_21 : memref<1xf32, #tpu.memory_space<vmem>>) target_semaphore(%arg17 : memref<!tpu.dma_semaphore, #tpu.memory_space<semaphore_mem>>)
    %broadcast_in_dim3A = arith.constant 0.000000e+00 : f32
    %broadcast_in_dim3A_22 = vector.broadcast %broadcast_in_dim3A : f32 to vector<16xf32>
    %scan3A = arith.constant 0 : i32
    %scan3A_23 = arith.constant 0 : i32
    %scan3A_24 = arith.constant 80 : i32
    %scan3A_25 = arith.addi %scan3A_23, %scan3A_24 : i32
    %scan3A_26 = arith.constant 1 : i32
    scf.for %scan3A_125 = %scan3A_23 to %scan3A_25 step %scan3A_26  : i32 {
      %mul3A_126 = arith.constant 8 : i32
      %mul3A_127 = arith.muli %scan3A_125, %mul3A_126 : i32
      %add3A = arith.constant 0 : i32
      %add3A_128 = arith.addi %mul3A_127, %add3A : i32
      %mul3A_129 = arith.constant 16 : i32
      %mul3A_130 = arith.muli %add3A_128, %mul3A_129 : i32
      %swap3A = arith.index_cast %mul3A_130 : i32 to index
      %swap3A_131 = tpu.vector_load %arg7[%swap3A] {strides = array<i32>} : memref<10240xf32, #tpu.memory_space<vmem>>, vector<16xf32>,
      tpu.vector_store %arg7[%swap3A], %broadcast_in_dim3A_22 {strides = array<i32>} : memref<10240xf32, #tpu.memory_space<vmem>>, vector<16xf32>,
      %mul3A_132 = arith.constant 8 : i32
      %mul3A_133 = arith.muli %scan3A_125, %mul3A_132 : i32
      %add3A_134 = arith.constant 0 : i32
      %add3A_135 = arith.addi %mul3A_133, %add3A_134 : i32
      %mul3A_136 = arith.constant 16 : i32
      %mul3A_137 = arith.muli %add3A_135, %mul3A_136 : i32
      %swap3A_138 = arith.index_cast %mul3A_137 : i32 to index
      %swap3A_139 = tpu.vector_load %arg8[%swap3A_138] {strides = array<i32>} : memref<10240xf32, #tpu.memory_space<vmem>>, vector<16xf32>,
      tpu.vector_store %arg8[%swap3A_138], %broadcast_in_dim3A_22 {strides = array<i32>} : memref<10240xf32, #tpu.memory_space<vmem>>, vector<16xf32>,
      %mul3A_140 = arith.constant 8 : i32
      %mul3A_141 = arith.muli %scan3A_125, %mul3A_140 : i32
      %add3A_142 = arith.constant 1 : i32
      %add3A_143 = arith.addi %mul3A_141, %add3A_142 : i32
      %mul3A_144 = arith.constant 16 : i32
      %mul3A_145 = arith.muli %add3A_143, %mul3A_144 : i32
      %swap3A_146 = arith.index_cast %mul3A_145 : i32 to index
      %swap3A_147 = tpu.vector_load %arg7[%swap3A_146] {strides = array<i32>} : memref<10240xf32, #tpu.memory_space<vmem>>, vector<16xf32>,
      tpu.vector_store %arg7[%swap3A_146], %broadcast_in_dim3A_22 {strides = array<i32>} : memref<10240xf32, #tpu.memory_space<vmem>>, vector<16xf32>,
      %mul3A_148 = arith.constant 8 : i32
      %mul3A_149 = arith.muli %scan3A_125, %mul3A_148 : i32
      %add3A_150 = arith.constant 1 : i32
      %add3A_151 = arith.addi %mul3A_149, %add3A_150 : i32
      %mul3A_152 = arith.constant 16 : i32
      %mul3A_153 = arith.muli %add3A_151, %mul3A_152 : i32
      %swap3A_154 = arith.index_cast %mul3A_153 : i32 to index
      %swap3A_155 = tpu.vector_load %arg8[%swap3A_154] {strides = array<i32>} : memref<10240xf32, #tpu.memory_space<vmem>>, vector<16xf32>,
      tpu.vector_store %arg8[%swap3A_154], %broadcast_in_dim3A_22 {strides = array<i32>} : memref<10240xf32, #tpu.memory_space<vmem>>, vector<16xf32>,
      %mul3A_156 = arith.constant 8 : i32
      %mul3A_157 = arith.muli %scan3A_125, %mul3A_156 : i32
      %add3A_158 = arith.constant 2 : i32
      %add3A_159 = arith.addi %mul3A_157, %add3A_158 : i32
      %mul3A_160 = arith.constant 16 : i32
      %mul3A_161 = arith.muli %add3A_159, %mul3A_160 : i32
      %swap3A_162 = arith.index_cast %mul3A_161 : i32 to index
      %swap3A_163 = tpu.vector_load %arg7[%swap3A_162] {strides = array<i32>} : memref<10240xf32, #tpu.memory_space<vmem>>, vector<16xf32>,
      tpu.vector_store %arg7[%swap3A_162], %broadcast_in_dim3A_22 {strides = array<i32>} : memref<10240xf32, #tpu.memory_space<vmem>>, vector<16xf32>,
      %mul3A_164 = arith.constant 8 : i32
      %mul3A_165 = arith.muli %scan3A_125, %mul3A_164 : i32
      %add3A_166 = arith.constant 2 : i32
      %add3A_167 = arith.addi %mul3A_165, %add3A_166 : i32
      %mul3A_168 = arith.constant 16 : i32
      %mul3A_169 = arith.muli %add3A_167, %mul3A_168 : i32
      %swap3A_170 = arith.index_cast %mul3A_169 : i32 to index
      %swap3A_171 = tpu.vector_load %arg8[%swap3A_170] {strides = array<i32>} : memref<10240xf32, #tpu.memory_space<vmem>>, vector<16xf32>,
      tpu.vector_store %arg8[%swap3A_170], %broadcast_in_dim3A_22 {strides = array<i32>} : memref<10240xf32, #tpu.memory_space<vmem>>, vector<16xf32>,
      %mul3A_172 = arith.constant 8 : i32
      %mul3A_173 = arith.muli %scan3A_125, %mul3A_172 : i32
      %add3A_174 = arith.constant 3 : i32
      %add3A_175 = arith.addi %mul3A_173, %add3A_174 : i32
      %mul3A_176 = arith.constant 16 : i32
      %mul3A_177 = arith.muli %add3A_175, %mul3A_176 : i32
      %swap3A_178 = arith.index_cast %mul3A_177 : i32 to index
      %swap3A_179 = tpu.vector_load %arg7[%swap3A_178] {strides = array<i32>} : memref<10240xf32, #tpu.memory_space<vmem>>, vector<16xf32>,
      tpu.vector_store %arg7[%swap3A_178], %broadcast_in_dim3A_22 {strides = array<i32>} : memref<10240xf32, #tpu.memory_space<vmem>>, vector<16xf32>,
      %mul3A_180 = arith.constant 8 : i32
      %mul3A_181 = arith.muli %scan3A_125, %mul3A_180 : i32
      %add3A_182 = arith.constant 3 : i32
      %add3A_183 = arith.addi %mul3A_181, %add3A_182 : i32
      %mul3A_184 = arith.constant 16 : i32
      %mul3A_185 = arith.muli %add3A_183, %mul3A_184 : i32
      %swap3A_186 = arith.index_cast %mul3A_185 : i32 to index
      %swap3A_187 = tpu.vector_load %arg8[%swap3A_186] {strides = array<i32>} : memref<10240xf32, #tpu.memory_space<vmem>>, vector<16xf32>,
      tpu.vector_store %arg8[%swap3A_186], %broadcast_in_dim3A_22 {strides = array<i32>} : memref<10240xf32, #tpu.memory_space<vmem>>, vector<16xf32>,
      %mul3A_188 = arith.constant 8 : i32
      %mul3A_189 = arith.muli %scan3A_125, %mul3A_188 : i32
      %add3A_190 = arith.constant 4 : i32
      %add3A_191 = arith.addi %mul3A_189, %add3A_190 : i32
      %mul3A_192 = arith.constant 16 : i32
      %mul3A_193 = arith.muli %add3A_191, %mul3A_192 : i32
      %swap3A_194 = arith.index_cast %mul3A_193 : i32 to index
      %swap3A_195 = tpu.vector_load %arg7[%swap3A_194] {strides = array<i32>} : memref<10240xf32, #tpu.memory_space<vmem>>, vector<16xf32>,
      tpu.vector_store %arg7[%swap3A_194], %broadcast_in_dim3A_22 {strides = array<i32>} : memref<10240xf32, #tpu.memory_space<vmem>>, vector<16xf32>,
      %mul3A_196 = arith.constant 8 : i32
      %mul3A_197 = arith.muli %scan3A_125, %mul3A_196 : i32
      %add3A_198 = arith.constant 4 : i32
      %add3A_199 = arith.addi %mul3A_197, %add3A_198 : i32
      %mul3A_200 = arith.constant 16 : i32
      %mul3A_201 = arith.muli %add3A_199, %mul3A_200 : i32
      %swap3A_202 = arith.index_cast %mul3A_201 : i32 to index
      %swap3A_203 = tpu.vector_load %arg8[%swap3A_202] {strides = array<i32>} : memref<10240xf32, #tpu.memory_space<vmem>>, vector<16xf32>,
      tpu.vector_store %arg8[%swap3A_202], %broadcast_in_dim3A_22 {strides = array<i32>} : memref<10240xf32, #tpu.memory_space<vmem>>, vector<16xf32>,
      %mul3A_204 = arith.constant 8 : i32
      %mul3A_205 = arith.muli %scan3A_125, %mul3A_204 : i32
      %add3A_206 = arith.constant 5 : i32
      %add3A_207 = arith.addi %mul3A_205, %add3A_206 : i32
      %mul3A_208 = arith.constant 16 : i32
      %mul3A_209 = arith.muli %add3A_207, %mul3A_208 : i32
      %swap3A_210 = arith.index_cast %mul3A_209 : i32 to index
      %swap3A_211 = tpu.vector_load %arg7[%swap3A_210] {strides = array<i32>} : memref<10240xf32, #tpu.memory_space<vmem>>, vector<16xf32>,
      tpu.vector_store %arg7[%swap3A_210], %broadcast_in_dim3A_22 {strides = array<i32>} : memref<10240xf32, #tpu.memory_space<vmem>>, vector<16xf32>,
      %mul3A_212 = arith.constant 8 : i32
      %mul3A_213 = arith.muli %scan3A_125, %mul3A_212 : i32
      %add3A_214 = arith.constant 5 : i32
      %add3A_215 = arith.addi %mul3A_213, %add3A_214 : i32
      %mul3A_216 = arith.constant 16 : i32
      %mul3A_217 = arith.muli %add3A_215, %mul3A_216 : i32
      %swap3A_218 = arith.index_cast %mul3A_217 : i32 to index
      %swap3A_219 = tpu.vector_load %arg8[%swap3A_218] {strides = array<i32>} : memref<10240xf32, #tpu.memory_space<vmem>>, vector<16xf32>,
      tpu.vector_store %arg8[%swap3A_218], %broadcast_in_dim3A_22 {strides = array<i32>} : memref<10240xf32, #tpu.memory_space<vmem>>, vector<16xf32>,
      %mul3A_220 = arith.constant 8 : i32
      %mul3A_221 = arith.muli %scan3A_125, %mul3A_220 : i32
      %add3A_222 = arith.constant 6 : i32
      %add3A_223 = arith.addi %mul3A_221, %add3A_222 : i32
      %mul3A_224 = arith.constant 16 : i32
      %mul3A_225 = arith.muli %add3A_223, %mul3A_224 : i32
      %swap3A_226 = arith.index_cast %mul3A_225 : i32 to index
      %swap3A_227 = tpu.vector_load %arg7[%swap3A_226] {strides = array<i32>} : memref<10240xf32, #tpu.memory_space<vmem>>, vector<16xf32>,
      tpu.vector_store %arg7[%swap3A_226], %broadcast_in_dim3A_22 {strides = array<i32>} : memref<10240xf32, #tpu.memory_space<vmem>>, vector<16xf32>,
      %mul3A_228 = arith.constant 8 : i32
      %mul3A_229 = arith.muli %scan3A_125, %mul3A_228 : i32
      %add3A_230 = arith.constant 6 : i32
      %add3A_231 = arith.addi %mul3A_229, %add3A_230 : i32
      %mul3A_232 = arith.constant 16 : i32
      %mul3A_233 = arith.muli %add3A_231, %mul3A_232 : i32
      %swap3A_234 = arith.index_cast %mul3A_233 : i32 to index
      %swap3A_235 = tpu.vector_load %arg8[%swap3A_234] {strides = array<i32>} : memref<10240xf32, #tpu.memory_space<vmem>>, vector<16xf32>,
      tpu.vector_store %arg8[%swap3A_234], %broadcast_in_dim3A_22 {strides = array<i32>} : memref<10240xf32, #tpu.memory_space<vmem>>, vector<16xf32>,
      %mul3A_236 = arith.constant 8 : i32
      %mul3A_237 = arith.muli %scan3A_125, %mul3A_236 : i32
      %add3A_238 = arith.constant 7 : i32
      %add3A_239 = arith.addi %mul3A_237, %add3A_238 : i32
      %mul3A_240 = arith.constant 16 : i32
      %mul3A_241 = arith.muli %add3A_239, %mul3A_240 : i32
      %swap3A_242 = arith.index_cast %mul3A_241 : i32 to index
      %swap3A_243 = tpu.vector_load %arg7[%swap3A_242] {strides = array<i32>} : memref<10240xf32, #tpu.memory_space<vmem>>, vector<16xf32>,
      tpu.vector_store %arg7[%swap3A_242], %broadcast_in_dim3A_22 {strides = array<i32>} : memref<10240xf32, #tpu.memory_space<vmem>>, vector<16xf32>,
      %mul3A_244 = arith.constant 8 : i32
      %mul3A_245 = arith.muli %scan3A_125, %mul3A_244 : i32
      %add3A_246 = arith.constant 7 : i32
      %add3A_247 = arith.addi %mul3A_245, %add3A_246 : i32
      %mul3A_248 = arith.constant 16 : i32
      %mul3A_249 = arith.muli %add3A_247, %mul3A_248 : i32
      %swap3A_250 = arith.index_cast %mul3A_249 : i32 to index
      %swap3A_251 = tpu.vector_load %arg8[%swap3A_250] {strides = array<i32>} : memref<10240xf32, #tpu.memory_space<vmem>>, vector<16xf32>,
      tpu.vector_store %arg8[%swap3A_250], %broadcast_in_dim3A_22 {strides = array<i32>} : memref<10240xf32, #tpu.memory_space<vmem>>, vector<16xf32>,
    }
    %scan3A_27 = arith.constant 80 : i32
    tpu.wait_dma2 semaphore(%arg17 : memref<!tpu.dma_semaphore, #tpu.memory_space<semaphore_mem>>) src(%arg2 : memref<10000xf32, #tpu.memory_space<hbm>>) dst(%arg6 : memref<10000xf32, #tpu.memory_space<vmem>>)
    %dma_wait3A = arith.constant 0 : i32
    %dma_wait3A_28 = arith.constant 0 : i32
    %dma_wait3A_29 = tpu.memref_slice %arg9[%dma_wait3A_28] : memref<10000xi32, #tpu.memory_space<vmem>> -> memref<10000xi32, #tpu.memory_space<vmem>>
    %dma_wait3A_30 = tpu.memref_slice %arg3[%dma_wait3A, %mul3A_0] : memref<2x160000xi32, #tpu.memory_space<hbm>> -> memref<1x10000xi32, #tpu.memory_space<hbm>>
    %dma_wait3A_31 = tpu.memref_squeeze %dma_wait3A_30 : memref<1x10000xi32, #tpu.memory_space<hbm>> -> memref<10000xi32, #tpu.memory_space<hbm>>
    %dma_wait3A_32 = arith.constant 0 : i32
    %dma_wait3A_33 = tpu.memref_slice %arg9[%dma_wait3A_32] : memref<10000xi32, #tpu.memory_space<vmem>> -> memref<10000xi32, #tpu.memory_space<vmem>>
    %dma_wait3A_34 = tpu.memref_slice %arg3[%dma_wait3A, %mul3A_0] : memref<2x160000xi32, #tpu.memory_space<hbm>> -> memref<1x10000xi32, #tpu.memory_space<hbm>>
    %dma_wait3A_35 = tpu.memref_squeeze %dma_wait3A_34 : memref<1x10000xi32, #tpu.memory_space<hbm>> -> memref<10000xi32, #tpu.memory_space<hbm>>
    tpu.wait_dma2 semaphore(%arg17 : memref<!tpu.dma_semaphore, #tpu.memory_space<semaphore_mem>>) src(%dma_wait3A_35 : memref<10000xi32, #tpu.memory_space<hbm>>) dst(%dma_wait3A_33 : memref<10000xi32, #tpu.memory_space<vmem>>)
    %dma_wait3A_36 = arith.constant 1 : i32
    %dma_wait3A_37 = arith.constant 0 : i32
    %dma_wait3A_38 = tpu.memref_slice %arg10[%dma_wait3A_37] : memref<10000xi32, #tpu.memory_space<vmem>> -> memref<10000xi32, #tpu.memory_space<vmem>>
    %dma_wait3A_39 = tpu.memref_slice %arg3[%dma_wait3A_36, %mul3A_0] : memref<2x160000xi32, #tpu.memory_space<hbm>> -> memref<1x10000xi32, #tpu.memory_space<hbm>>
    %dma_wait3A_40 = tpu.memref_squeeze %dma_wait3A_39 : memref<1x10000xi32, #tpu.memory_space<hbm>> -> memref<10000xi32, #tpu.memory_space<hbm>>
    %dma_wait3A_41 = arith.constant 0 : i32
    %dma_wait3A_42 = tpu.memref_slice %arg10[%dma_wait3A_41] : memref<10000xi32, #tpu.memory_space<vmem>> -> memref<10000xi32, #tpu.memory_space<vmem>>
    %dma_wait3A_43 = tpu.memref_slice %arg3[%dma_wait3A_36, %mul3A_0] : memref<2x160000xi32, #tpu.memory_space<hbm>> -> memref<1x10000xi32, #tpu.memory_space<hbm>>
    %dma_wait3A_44 = tpu.memref_squeeze %dma_wait3A_43 : memref<1x10000xi32, #tpu.memory_space<hbm>> -> memref<10000xi32, #tpu.memory_space<hbm>>
    tpu.wait_dma2 semaphore(%arg17 : memref<!tpu.dma_semaphore, #tpu.memory_space<semaphore_mem>>) src(%dma_wait3A_44 : memref<10000xi32, #tpu.memory_space<hbm>>) dst(%dma_wait3A_42 : memref<10000xi32, #tpu.memory_space<vmem>>)
    %dma_wait3A_45 = arith.constant 0 : i32
    %dma_wait3A_46 = tpu.memref_slice %arg14[%dma_wait3A_45] : memref<16xf32, #tpu.memory_space<vmem>> -> memref<1xf32, #tpu.memory_space<vmem>>
    %dma_wait3A_47 = arith.constant 0 : i32
    %dma_wait3A_48 = tpu.memref_slice %arg14[%dma_wait3A_47] : memref<16xf32, #tpu.memory_space<vmem>> -> memref<1xf32, #tpu.memory_space<vmem>>
    tpu.wait_dma2 semaphore(%arg17 : memref<!tpu.dma_semaphore, #tpu.memory_space<semaphore_mem>>) src(%arg4 : memref<1xf32, #tpu.memory_space<hbm>>) dst(%dma_wait3A_48 : memref<1xf32, #tpu.memory_space<vmem>>)
    %broadcast_in_dim3A_49 = arith.constant 1.000000e+00 : f32
    %broadcast_in_dim3A_50 = vector.broadcast %broadcast_in_dim3A_49 : f32 to vector<16xf32>
    %scan3A_51 = arith.constant 0 : i32
    %scan3A_52 = arith.constant 0 : i32
    %scan3A_53 = arith.constant 78 : i32
    %scan3A_54 = arith.addi %scan3A_52, %scan3A_53 : i32
    %scan3A_55 = arith.constant 1 : i32
    scf.for %scan3A_125 = %scan3A_52 to %scan3A_54 step %scan3A_55  : i32 {
      %mul3A_126 = arith.constant 8 : i32
      %mul3A_127 = arith.muli %scan3A_125, %mul3A_126 : i32
      %add3A = arith.constant 0 : i32
      %add3A_128 = arith.addi %mul3A_127, %add3A : i32
      %mul3A_129 = arith.constant 16 : i32
      %mul3A_130 = arith.muli %add3A_128, %mul3A_129 : i32
      %get3A_131 = arith.index_cast %mul3A_130 : i32 to index
      %get3A_132 = tpu.vector_load %arg9[%get3A_131] {strides = array<i32>} : memref<10000xi32, #tpu.memory_space<vmem>>, vector<16xi32>,
      %mul3A_133 = arith.constant 16 : i32
      %mul3A_134 = arith.muli %add3A_128, %mul3A_133 : i32
      %get3A_135 = arith.index_cast %mul3A_134 : i32 to index
      %get3A_136 = tpu.vector_load %arg10[%get3A_135] {strides = array<i32>} : memref<10000xi32, #tpu.memory_space<vmem>>, vector<16xi32>,
      %gather3A_137 = tpu.vector_load_idx %arg6[%get3A_132] : memref<10000xf32, #tpu.memory_space<vmem>>[vector<16xi32>], vector<16xf32>,
      tpu.vector_store_idx %arg7[%get3A_136], %gather3A_137 {add = true} : memref<10240xf32, #tpu.memory_space<vmem>>[vector<16xi32>], vector<16xf32>,
      tpu.vector_store_idx %arg8[%get3A_136], %broadcast_in_dim3A_50 {add = true} : memref<10240xf32, #tpu.memory_space<vmem>>[vector<16xi32>], vector<16xf32>,
      %mul3A_138 = arith.constant 8 : i32
      %mul3A_139 = arith.muli %scan3A_125, %mul3A_138 : i32
      %add3A_140 = arith.constant 1 : i32
      %add3A_141 = arith.addi %mul3A_139, %add3A_140 : i32
      %mul3A_142 = arith.constant 16 : i32
      %mul3A_143 = arith.muli %add3A_141, %mul3A_142 : i32
      %get3A_144 = arith.index_cast %mul3A_143 : i32 to index
      %get3A_145 = tpu.vector_load %arg9[%get3A_144] {strides = array<i32>} : memref<10000xi32, #tpu.memory_space<vmem>>, vector<16xi32>,
      %mul3A_146 = arith.constant 16 : i32
      %mul3A_147 = arith.muli %add3A_141, %mul3A_146 : i32
      %get3A_148 = arith.index_cast %mul3A_147 : i32 to index
      %get3A_149 = tpu.vector_load %arg10[%get3A_148] {strides = array<i32>} : memref<10000xi32, #tpu.memory_space<vmem>>, vector<16xi32>,
      %gather3A_150 = tpu.vector_load_idx %arg6[%get3A_145] : memref<10000xf32, #tpu.memory_space<vmem>>[vector<16xi32>], vector<16xf32>,
      tpu.vector_store_idx %arg7[%get3A_149], %gather3A_150 {add = true} : memref<10240xf32, #tpu.memory_space<vmem>>[vector<16xi32>], vector<16xf32>,
      tpu.vector_store_idx %arg8[%get3A_149], %broadcast_in_dim3A_50 {add = true} : memref<10240xf32, #tpu.memory_space<vmem>>[vector<16xi32>], vector<16xf32>,
      %mul3A_151 = arith.constant 8 : i32
      %mul3A_152 = arith.muli %scan3A_125, %mul3A_151 : i32
      %add3A_153 = arith.constant 2 : i32
      %add3A_154 = arith.addi %mul3A_152, %add3A_153 : i32
      %mul3A_155 = arith.constant 16 : i32
      %mul3A_156 = arith.muli %add3A_154, %mul3A_155 : i32
      %get3A_157 = arith.index_cast %mul3A_156 : i32 to index
      %get3A_158 = tpu.vector_load %arg9[%get3A_157] {strides = array<i32>} : memref<10000xi32, #tpu.memory_space<vmem>>, vector<16xi32>,
      %mul3A_159 = arith.constant 16 : i32
      %mul3A_160 = arith.muli %add3A_154, %mul3A_159 : i32
      %get3A_161 = arith.index_cast %mul3A_160 : i32 to index
      %get3A_162 = tpu.vector_load %arg10[%get3A_161] {strides = array<i32>} : memref<10000xi32, #tpu.memory_space<vmem>>, vector<16xi32>,
      %gather3A_163 = tpu.vector_load_idx %arg6[%get3A_158] : memref<10000xf32, #tpu.memory_space<vmem>>[vector<16xi32>], vector<16xf32>,
      tpu.vector_store_idx %arg7[%get3A_162], %gather3A_163 {add = true} : memref<10240xf32, #tpu.memory_space<vmem>>[vector<16xi32>], vector<16xf32>,
      tpu.vector_store_idx %arg8[%get3A_162], %broadcast_in_dim3A_50 {add = true} : memref<10240xf32, #tpu.memory_space<vmem>>[vector<16xi32>], vector<16xf32>,
      %mul3A_164 = arith.constant 8 : i32
      %mul3A_165 = arith.muli %scan3A_125, %mul3A_164 : i32
      %add3A_166 = arith.constant 3 : i32
      %add3A_167 = arith.addi %mul3A_165, %add3A_166 : i32
      %mul3A_168 = arith.constant 16 : i32
      %mul3A_169 = arith.muli %add3A_167, %mul3A_168 : i32
      %get3A_170 = arith.index_cast %mul3A_169 : i32 to index
      %get3A_171 = tpu.vector_load %arg9[%get3A_170] {strides = array<i32>} : memref<10000xi32, #tpu.memory_space<vmem>>, vector<16xi32>,
      %mul3A_172 = arith.constant 16 : i32
      %mul3A_173 = arith.muli %add3A_167, %mul3A_172 : i32
      %get3A_174 = arith.index_cast %mul3A_173 : i32 to index
      %get3A_175 = tpu.vector_load %arg10[%get3A_174] {strides = array<i32>} : memref<10000xi32, #tpu.memory_space<vmem>>, vector<16xi32>,
      %gather3A_176 = tpu.vector_load_idx %arg6[%get3A_171] : memref<10000xf32, #tpu.memory_space<vmem>>[vector<16xi32>], vector<16xf32>,
      tpu.vector_store_idx %arg7[%get3A_175], %gather3A_176 {add = true} : memref<10240xf32, #tpu.memory_space<vmem>>[vector<16xi32>], vector<16xf32>,
      tpu.vector_store_idx %arg8[%get3A_175], %broadcast_in_dim3A_50 {add = true} : memref<10240xf32, #tpu.memory_space<vmem>>[vector<16xi32>], vector<16xf32>,
      %mul3A_177 = arith.constant 8 : i32
      %mul3A_178 = arith.muli %scan3A_125, %mul3A_177 : i32
      %add3A_179 = arith.constant 4 : i32
      %add3A_180 = arith.addi %mul3A_178, %add3A_179 : i32
      %mul3A_181 = arith.constant 16 : i32
      %mul3A_182 = arith.muli %add3A_180, %mul3A_181 : i32
      %get3A_183 = arith.index_cast %mul3A_182 : i32 to index
      %get3A_184 = tpu.vector_load %arg9[%get3A_183] {strides = array<i32>} : memref<10000xi32, #tpu.memory_space<vmem>>, vector<16xi32>,
      %mul3A_185 = arith.constant 16 : i32
      %mul3A_186 = arith.muli %add3A_180, %mul3A_185 : i32
      %get3A_187 = arith.index_cast %mul3A_186 : i32 to index
      %get3A_188 = tpu.vector_load %arg10[%get3A_187] {strides = array<i32>} : memref<10000xi32, #tpu.memory_space<vmem>>, vector<16xi32>,
      %gather3A_189 = tpu.vector_load_idx %arg6[%get3A_184] : memref<10000xf32, #tpu.memory_space<vmem>>[vector<16xi32>], vector<16xf32>,
      tpu.vector_store_idx %arg7[%get3A_188], %gather3A_189 {add = true} : memref<10240xf32, #tpu.memory_space<vmem>>[vector<16xi32>], vector<16xf32>,
      tpu.vector_store_idx %arg8[%get3A_188], %broadcast_in_dim3A_50 {add = true} : memref<10240xf32, #tpu.memory_space<vmem>>[vector<16xi32>], vector<16xf32>,
      %mul3A_190 = arith.constant 8 : i32
      %mul3A_191 = arith.muli %scan3A_125, %mul3A_190 : i32
      %add3A_192 = arith.constant 5 : i32
      %add3A_193 = arith.addi %mul3A_191, %add3A_192 : i32
      %mul3A_194 = arith.constant 16 : i32
      %mul3A_195 = arith.muli %add3A_193, %mul3A_194 : i32
      %get3A_196 = arith.index_cast %mul3A_195 : i32 to index
      %get3A_197 = tpu.vector_load %arg9[%get3A_196] {strides = array<i32>} : memref<10000xi32, #tpu.memory_space<vmem>>, vector<16xi32>,
      %mul3A_198 = arith.constant 16 : i32
      %mul3A_199 = arith.muli %add3A_193, %mul3A_198 : i32
      %get3A_200 = arith.index_cast %mul3A_199 : i32 to index
      %get3A_201 = tpu.vector_load %arg10[%get3A_200] {strides = array<i32>} : memref<10000xi32, #tpu.memory_space<vmem>>, vector<16xi32>,
      %gather3A_202 = tpu.vector_load_idx %arg6[%get3A_197] : memref<10000xf32, #tpu.memory_space<vmem>>[vector<16xi32>], vector<16xf32>,
      tpu.vector_store_idx %arg7[%get3A_201], %gather3A_202 {add = true} : memref<10240xf32, #tpu.memory_space<vmem>>[vector<16xi32>], vector<16xf32>,
      tpu.vector_store_idx %arg8[%get3A_201], %broadcast_in_dim3A_50 {add = true} : memref<10240xf32, #tpu.memory_space<vmem>>[vector<16xi32>], vector<16xf32>,
      %mul3A_203 = arith.constant 8 : i32
      %mul3A_204 = arith.muli %scan3A_125, %mul3A_203 : i32
      %add3A_205 = arith.constant 6 : i32
      %add3A_206 = arith.addi %mul3A_204, %add3A_205 : i32
      %mul3A_207 = arith.constant 16 : i32
      %mul3A_208 = arith.muli %add3A_206, %mul3A_207 : i32
      %get3A_209 = arith.index_cast %mul3A_208 : i32 to index
      %get3A_210 = tpu.vector_load %arg9[%get3A_209] {strides = array<i32>} : memref<10000xi32, #tpu.memory_space<vmem>>, vector<16xi32>,
      %mul3A_211 = arith.constant 16 : i32
      %mul3A_212 = arith.muli %add3A_206, %mul3A_211 : i32
      %get3A_213 = arith.index_cast %mul3A_212 : i32 to index
      %get3A_214 = tpu.vector_load %arg10[%get3A_213] {strides = array<i32>} : memref<10000xi32, #tpu.memory_space<vmem>>, vector<16xi32>,
      %gather3A_215 = tpu.vector_load_idx %arg6[%get3A_210] : memref<10000xf32, #tpu.memory_space<vmem>>[vector<16xi32>], vector<16xf32>,
      tpu.vector_store_idx %arg7[%get3A_214], %gather3A_215 {add = true} : memref<10240xf32, #tpu.memory_space<vmem>>[vector<16xi32>], vector<16xf32>,
      tpu.vector_store_idx %arg8[%get3A_214], %broadcast_in_dim3A_50 {add = true} : memref<10240xf32, #tpu.memory_space<vmem>>[vector<16xi32>], vector<16xf32>,
      %mul3A_216 = arith.constant 8 : i32
      %mul3A_217 = arith.muli %scan3A_125, %mul3A_216 : i32
      %add3A_218 = arith.constant 7 : i32
      %add3A_219 = arith.addi %mul3A_217, %add3A_218 : i32
      %mul3A_220 = arith.constant 16 : i32
      %mul3A_221 = arith.muli %add3A_219, %mul3A_220 : i32
      %get3A_222 = arith.index_cast %mul3A_221 : i32 to index
      %get3A_223 = tpu.vector_load %arg9[%get3A_222] {strides = array<i32>} : memref<10000xi32, #tpu.memory_space<vmem>>, vector<16xi32>,
      %mul3A_224 = arith.constant 16 : i32
      %mul3A_225 = arith.muli %add3A_219, %mul3A_224 : i32
      %get3A_226 = arith.index_cast %mul3A_225 : i32 to index
      %get3A_227 = tpu.vector_load %arg10[%get3A_226] {strides = array<i32>} : memref<10000xi32, #tpu.memory_space<vmem>>, vector<16xi32>,
      %gather3A_228 = tpu.vector_load_idx %arg6[%get3A_223] : memref<10000xf32, #tpu.memory_space<vmem>>[vector<16xi32>], vector<16xf32>,
      tpu.vector_store_idx %arg7[%get3A_227], %gather3A_228 {add = true} : memref<10240xf32, #tpu.memory_space<vmem>>[vector<16xi32>], vector<16xf32>,
      tpu.vector_store_idx %arg8[%get3A_227], %broadcast_in_dim3A_50 {add = true} : memref<10240xf32, #tpu.memory_space<vmem>>[vector<16xi32>], vector<16xf32>,
    }
    %scan3A_56 = arith.constant 78 : i32
    %get3A = arith.constant 9984 : index
    %get3A_57 = tpu.vector_load %arg9[%get3A] {strides = array<i32>} : memref<10000xi32, #tpu.memory_space<vmem>>, vector<16xi32>,
    %get3A_58 = arith.constant 9984 : index
    %get3A_59 = tpu.vector_load %arg10[%get3A_58] {strides = array<i32>} : memref<10000xi32, #tpu.memory_space<vmem>>, vector<16xi32>,
    %gather3A = tpu.vector_load_idx %arg6[%get3A_57] : memref<10000xf32, #tpu.memory_space<vmem>>[vector<16xi32>], vector<16xf32>,
    tpu.vector_store_idx %arg7[%get3A_59], %gather3A {add = true} : memref<10240xf32, #tpu.memory_space<vmem>>[vector<16xi32>], vector<16xf32>,
    tpu.vector_store_idx %arg8[%get3A_59], %broadcast_in_dim3A_50 {add = true} : memref<10240xf32, #tpu.memory_space<vmem>>[vector<16xi32>], vector<16xf32>,
    %dma_start3A_60 = arith.constant 0 : i32
    %dma_start3A_61 = tpu.memref_slice %arg15[%arg1, %dma_start3A_60] : memref<16x10240xf32, #tpu.memory_space<vmem_shared>> -> memref<1x10240xf32, #tpu.memory_space<vmem_shared>>
    %dma_start3A_62 = tpu.memref_squeeze %dma_start3A_61 : memref<1x10240xf32, #tpu.memory_space<vmem_shared>> -> memref<10240xf32, #tpu.memory_space<vmem_shared>>
    %dma_start3A_63 = arith.constant 0 : i32
    %dma_start3A_64 = tpu.memref_slice %arg15[%arg1, %dma_start3A_63] : memref<16x10240xf32, #tpu.memory_space<vmem_shared>> -> memref<1x10240xf32, #tpu.memory_space<vmem_shared>>
    %dma_start3A_65 = tpu.memref_squeeze %dma_start3A_64 : memref<1x10240xf32, #tpu.memory_space<vmem_shared>> -> memref<10240xf32, #tpu.memory_space<vmem_shared>>
    tpu.enqueue_dma source(%arg7 : memref<10240xf32, #tpu.memory_space<vmem>>) target(%dma_start3A_65 : memref<10240xf32, #tpu.memory_space<vmem_shared>>) target_semaphore(%arg17 : memref<!tpu.dma_semaphore, #tpu.memory_space<semaphore_mem>>)
    %dma_start3A_66 = arith.constant 0 : i32
    %dma_start3A_67 = tpu.memref_slice %arg16[%arg1, %dma_start3A_66] : memref<16x10240xf32, #tpu.memory_space<vmem_shared>> -> memref<1x10240xf32, #tpu.memory_space<vmem_shared>>
    %dma_start3A_68 = tpu.memref_squeeze %dma_start3A_67 : memref<1x10240xf32, #tpu.memory_space<vmem_shared>> -> memref<10240xf32, #tpu.memory_space<vmem_shared>>
    %dma_start3A_69 = arith.constant 0 : i32
    %dma_start3A_70 = tpu.memref_slice %arg16[%arg1, %dma_start3A_69] : memref<16x10240xf32, #tpu.memory_space<vmem_shared>> -> memref<1x10240xf32, #tpu.memory_space<vmem_shared>>
    %dma_start3A_71 = tpu.memref_squeeze %dma_start3A_70 : memref<1x10240xf32, #tpu.memory_space<vmem_shared>> -> memref<10240xf32, #tpu.memory_space<vmem_shared>>
    tpu.enqueue_dma source(%arg8 : memref<10240xf32, #tpu.memory_space<vmem>>) target(%dma_start3A_71 : memref<10240xf32, #tpu.memory_space<vmem_shared>>) target_semaphore(%arg17 : memref<!tpu.dma_semaphore, #tpu.memory_space<semaphore_mem>>)
    %dma_wait3A_72 = arith.constant 0 : i32
    %dma_wait3A_73 = tpu.memref_slice %arg15[%arg1, %dma_wait3A_72] : memref<16x10240xf32, #tpu.memory_space<vmem_shared>> -> memref<1x10240xf32, #tpu.memory_space<vmem_shared>>
    %dma_wait3A_74 = tpu.memref_squeeze %dma_wait3A_73 : memref<1x10240xf32, #tpu.memory_space<vmem_shared>> -> memref<10240xf32, #tpu.memory_space<vmem_shared>>
    %dma_wait3A_75 = arith.constant 0 : i32
    %dma_wait3A_76 = tpu.memref_slice %arg15[%arg1, %dma_wait3A_75] : memref<16x10240xf32, #tpu.memory_space<vmem_shared>> -> memref<1x10240xf32, #tpu.memory_space<vmem_shared>>
    %dma_wait3A_77 = tpu.memref_squeeze %dma_wait3A_76 : memref<1x10240xf32, #tpu.memory_space<vmem_shared>> -> memref<10240xf32, #tpu.memory_space<vmem_shared>>
    tpu.wait_dma2 semaphore(%arg17 : memref<!tpu.dma_semaphore, #tpu.memory_space<semaphore_mem>>) src(%arg7 : memref<10240xf32, #tpu.memory_space<vmem>>) dst(%dma_wait3A_77 : memref<10240xf32, #tpu.memory_space<vmem_shared>>)
    %dma_wait3A_78 = arith.constant 0 : i32
    %dma_wait3A_79 = tpu.memref_slice %arg16[%arg1, %dma_wait3A_78] : memref<16x10240xf32, #tpu.memory_space<vmem_shared>> -> memref<1x10240xf32, #tpu.memory_space<vmem_shared>>
    %dma_wait3A_80 = tpu.memref_squeeze %dma_wait3A_79 : memref<1x10240xf32, #tpu.memory_space<vmem_shared>> -> memref<10240xf32, #tpu.memory_space<vmem_shared>>
    %dma_wait3A_81 = arith.constant 0 : i32
    %dma_wait3A_82 = tpu.memref_slice %arg16[%arg1, %dma_wait3A_81] : memref<16x10240xf32, #tpu.memory_space<vmem_shared>> -> memref<1x10240xf32, #tpu.memory_space<vmem_shared>>
    %dma_wait3A_83 = tpu.memref_squeeze %dma_wait3A_82 : memref<1x10240xf32, #tpu.memory_space<vmem_shared>> -> memref<10240xf32, #tpu.memory_space<vmem_shared>>
    tpu.wait_dma2 semaphore(%arg17 : memref<!tpu.dma_semaphore, #tpu.memory_space<semaphore_mem>>) src(%arg8 : memref<10240xf32, #tpu.memory_space<vmem>>) dst(%dma_wait3A_83 : memref<10240xf32, #tpu.memory_space<vmem_shared>>)
    %barrier3A = arith.constant 0 : index
    tpu.barrier barrier_id(%barrier3A)
    %mul3A_84 = arith.constant 640 : i32
    %mul3A_85 = arith.muli %arg1, %mul3A_84 : i32
    %dma_start3A_86 = arith.constant 0 : i32
    %dma_start3A_87 = tpu.memref_slice %arg15[%dma_start3A_86, %mul3A_85] : memref<16x10240xf32, #tpu.memory_space<vmem_shared>> -> memref<16x640xf32, #tpu.memory_space<vmem_shared>>
    %dma_start3A_88 = arith.constant 0 : i32
    %dma_start3A_89 = tpu.memref_slice %arg15[%dma_start3A_88, %mul3A_85] : memref<16x10240xf32, #tpu.memory_space<vmem_shared>> -> memref<16x640xf32, #tpu.memory_space<vmem_shared>>
    tpu.enqueue_dma source(%dma_start3A_89 : memref<16x640xf32, #tpu.memory_space<vmem_shared>>) target(%arg11 : memref<16x640xf32, #tpu.memory_space<vmem>>) target_semaphore(%arg17 : memref<!tpu.dma_semaphore, #tpu.memory_space<semaphore_mem>>)
    %mul3A_90 = arith.constant 640 : i32
    %mul3A_91 = arith.muli %arg1, %mul3A_90 : i32
    %dma_start3A_92 = arith.constant 0 : i32
    %dma_start3A_93 = tpu.memref_slice %arg16[%dma_start3A_92, %mul3A_91] : memref<16x10240xf32, #tpu.memory_space<vmem_shared>> -> memref<16x640xf32, #tpu.memory_space<vmem_shared>>
    %dma_start3A_94 = arith.constant 0 : i32
    %dma_start3A_95 = tpu.memref_slice %arg16[%dma_start3A_94, %mul3A_91] : memref<16x10240xf32, #tpu.memory_space<vmem_shared>> -> memref<16x640xf32, #tpu.memory_space<vmem_shared>>
    tpu.enqueue_dma source(%dma_start3A_95 : memref<16x640xf32, #tpu.memory_space<vmem_shared>>) target(%arg12 : memref<16x640xf32, #tpu.memory_space<vmem>>) target_semaphore(%arg17 : memref<!tpu.dma_semaphore, #tpu.memory_space<semaphore_mem>>)
    %dma_wait3A_96 = arith.constant 0 : i32
    %dma_wait3A_97 = tpu.memref_slice %arg15[%dma_wait3A_96, %mul3A_85] : memref<16x10240xf32, #tpu.memory_space<vmem_shared>> -> memref<16x640xf32, #tpu.memory_space<vmem_shared>>
    %dma_wait3A_98 = arith.constant 0 : i32
    %dma_wait3A_99 = tpu.memref_slice %arg15[%dma_wait3A_98, %mul3A_85] : memref<16x10240xf32, #tpu.memory_space<vmem_shared>> -> memref<16x640xf32, #tpu.memory_space<vmem_shared>>
    tpu.wait_dma2 semaphore(%arg17 : memref<!tpu.dma_semaphore, #tpu.memory_space<semaphore_mem>>) src(%dma_wait3A_99 : memref<16x640xf32, #tpu.memory_space<vmem_shared>>) dst(%arg11 : memref<16x640xf32, #tpu.memory_space<vmem>>)
    %scan3A_100 = arith.constant 0 : i32
    %scan3A_101 = arith.constant 0 : i32
    %scan3A_102 = arith.constant 40 : i32
    %scan3A_103 = arith.addi %scan3A_101, %scan3A_102 : i32
    %scan3A_104 = arith.constant 1 : i32
    scf.for %scan3A_125 = %scan3A_101 to %scan3A_103 step %scan3A_104  : i32 {
      %mul3A_126 = arith.constant 16 : i32
      %mul3A_127 = arith.muli %scan3A_125, %mul3A_126 : i32
      %get3A_128 = arith.constant 0 : i32
      %get3A_129 = arith.index_cast %get3A_128 : i32 to index
      %get3A_130 = arith.index_cast %mul3A_127 : i32 to index
      %get3A_131 = tpu.vector_load %arg11[%get3A_129, %get3A_130] {strides = array<i32>} : memref<16x640xf32, #tpu.memory_space<vmem>>, vector<16xf32>,
      %mul3A_132 = arith.constant 16 : i32
      %mul3A_133 = arith.muli %scan3A_125, %mul3A_132 : i32
      %get3A_134 = arith.constant 1 : i32
      %get3A_135 = arith.index_cast %get3A_134 : i32 to index
      %get3A_136 = arith.index_cast %mul3A_133 : i32 to index
      %get3A_137 = tpu.vector_load %arg11[%get3A_135, %get3A_136] {strides = array<i32>} : memref<16x640xf32, #tpu.memory_space<vmem>>, vector<16xf32>,
      %add3A = arith.addf %get3A_131, %get3A_137 : vector<16xf32>
      %mul3A_138 = arith.constant 16 : i32
      %mul3A_139 = arith.muli %scan3A_125, %mul3A_138 : i32
      %get3A_140 = arith.constant 2 : i32
      %get3A_141 = arith.index_cast %get3A_140 : i32 to index
      %get3A_142 = arith.index_cast %mul3A_139 : i32 to index
      %get3A_143 = tpu.vector_load %arg11[%get3A_141, %get3A_142] {strides = array<i32>} : memref<16x640xf32, #tpu.memory_space<vmem>>, vector<16xf32>,
      %add3A_144 = arith.addf %add3A, %get3A_143 : vector<16xf32>
      %mul3A_145 = arith.constant 16 : i32
      %mul3A_146 = arith.muli %scan3A_125, %mul3A_145 : i32
      %get3A_147 = arith.constant 3 : i32
      %get3A_148 = arith.index_cast %get3A_147 : i32 to index
      %get3A_149 = arith.index_cast %mul3A_146 : i32 to index
      %get3A_150 = tpu.vector_load %arg11[%get3A_148, %get3A_149] {strides = array<i32>} : memref<16x640xf32, #tpu.memory_space<vmem>>, vector<16xf32>,
      %add3A_151 = arith.addf %add3A_144, %get3A_150 : vector<16xf32>
      %mul3A_152 = arith.constant 16 : i32
      %mul3A_153 = arith.muli %scan3A_125, %mul3A_152 : i32
      %get3A_154 = arith.constant 4 : i32
      %get3A_155 = arith.index_cast %get3A_154 : i32 to index
      %get3A_156 = arith.index_cast %mul3A_153 : i32 to index
      %get3A_157 = tpu.vector_load %arg11[%get3A_155, %get3A_156] {strides = array<i32>} : memref<16x640xf32, #tpu.memory_space<vmem>>, vector<16xf32>,
      %add3A_158 = arith.addf %add3A_151, %get3A_157 : vector<16xf32>
      %mul3A_159 = arith.constant 16 : i32
      %mul3A_160 = arith.muli %scan3A_125, %mul3A_159 : i32
      %get3A_161 = arith.constant 5 : i32
      %get3A_162 = arith.index_cast %get3A_161 : i32 to index
      %get3A_163 = arith.index_cast %mul3A_160 : i32 to index
      %get3A_164 = tpu.vector_load %arg11[%get3A_162, %get3A_163] {strides = array<i32>} : memref<16x640xf32, #tpu.memory_space<vmem>>, vector<16xf32>,
      %add3A_165 = arith.addf %add3A_158, %get3A_164 : vector<16xf32>
      %mul3A_166 = arith.constant 16 : i32
      %mul3A_167 = arith.muli %scan3A_125, %mul3A_166 : i32
      %get3A_168 = arith.constant 6 : i32
      %get3A_169 = arith.index_cast %get3A_168 : i32 to index
      %get3A_170 = arith.index_cast %mul3A_167 : i32 to index
      %get3A_171 = tpu.vector_load %arg11[%get3A_169, %get3A_170] {strides = array<i32>} : memref<16x640xf32, #tpu.memory_space<vmem>>, vector<16xf32>,
      %add3A_172 = arith.addf %add3A_165, %get3A_171 : vector<16xf32>
      %mul3A_173 = arith.constant 16 : i32
      %mul3A_174 = arith.muli %scan3A_125, %mul3A_173 : i32
      %get3A_175 = arith.constant 7 : i32
      %get3A_176 = arith.index_cast %get3A_175 : i32 to index
      %get3A_177 = arith.index_cast %mul3A_174 : i32 to index
      %get3A_178 = tpu.vector_load %arg11[%get3A_176, %get3A_177] {strides = array<i32>} : memref<16x640xf32, #tpu.memory_space<vmem>>, vector<16xf32>,
      %add3A_179 = arith.addf %add3A_172, %get3A_178 : vector<16xf32>
      %mul3A_180 = arith.constant 16 : i32
      %mul3A_181 = arith.muli %scan3A_125, %mul3A_180 : i32
      %get3A_182 = arith.constant 8 : i32
      %get3A_183 = arith.index_cast %get3A_182 : i32 to index
      %get3A_184 = arith.index_cast %mul3A_181 : i32 to index
      %get3A_185 = tpu.vector_load %arg11[%get3A_183, %get3A_184] {strides = array<i32>} : memref<16x640xf32, #tpu.memory_space<vmem>>, vector<16xf32>,
      %add3A_186 = arith.addf %add3A_179, %get3A_185 : vector<16xf32>
      %mul3A_187 = arith.constant 16 : i32
      %mul3A_188 = arith.muli %scan3A_125, %mul3A_187 : i32
      %get3A_189 = arith.constant 9 : i32
      %get3A_190 = arith.index_cast %get3A_189 : i32 to index
      %get3A_191 = arith.index_cast %mul3A_188 : i32 to index
      %get3A_192 = tpu.vector_load %arg11[%get3A_190, %get3A_191] {strides = array<i32>} : memref<16x640xf32, #tpu.memory_space<vmem>>, vector<16xf32>,
      %add3A_193 = arith.addf %add3A_186, %get3A_192 : vector<16xf32>
      %mul3A_194 = arith.constant 16 : i32
      %mul3A_195 = arith.muli %scan3A_125, %mul3A_194 : i32
      %get3A_196 = arith.constant 10 : i32
      %get3A_197 = arith.index_cast %get3A_196 : i32 to index
      %get3A_198 = arith.index_cast %mul3A_195 : i32 to index
      %get3A_199 = tpu.vector_load %arg11[%get3A_197, %get3A_198] {strides = array<i32>} : memref<16x640xf32, #tpu.memory_space<vmem>>, vector<16xf32>,
      %add3A_200 = arith.addf %add3A_193, %get3A_199 : vector<16xf32>
      %mul3A_201 = arith.constant 16 : i32
      %mul3A_202 = arith.muli %scan3A_125, %mul3A_201 : i32
      %get3A_203 = arith.constant 11 : i32
      %get3A_204 = arith.index_cast %get3A_203 : i32 to index
      %get3A_205 = arith.index_cast %mul3A_202 : i32 to index
      %get3A_206 = tpu.vector_load %arg11[%get3A_204, %get3A_205] {strides = array<i32>} : memref<16x640xf32, #tpu.memory_space<vmem>>, vector<16xf32>,
      %add3A_207 = arith.addf %add3A_200, %get3A_206 : vector<16xf32>
      %mul3A_208 = arith.constant 16 : i32
      %mul3A_209 = arith.muli %scan3A_125, %mul3A_208 : i32
      %get3A_210 = arith.constant 12 : i32
      %get3A_211 = arith.index_cast %get3A_210 : i32 to index
      %get3A_212 = arith.index_cast %mul3A_209 : i32 to index
      %get3A_213 = tpu.vector_load %arg11[%get3A_211, %get3A_212] {strides = array<i32>} : memref<16x640xf32, #tpu.memory_space<vmem>>, vector<16xf32>,
      %add3A_214 = arith.addf %add3A_207, %get3A_213 : vector<16xf32>
      %mul3A_215 = arith.constant 16 : i32
      %mul3A_216 = arith.muli %scan3A_125, %mul3A_215 : i32
      %get3A_217 = arith.constant 13 : i32
      %get3A_218 = arith.index_cast %get3A_217 : i32 to index
      %get3A_219 = arith.index_cast %mul3A_216 : i32 to index
      %get3A_220 = tpu.vector_load %arg11[%get3A_218, %get3A_219] {strides = array<i32>} : memref<16x640xf32, #tpu.memory_space<vmem>>, vector<16xf32>,
      %add3A_221 = arith.addf %add3A_214, %get3A_220 : vector<16xf32>
      %mul3A_222 = arith.constant 16 : i32
      %mul3A_223 = arith.muli %scan3A_125, %mul3A_222 : i32
      %get3A_224 = arith.constant 14 : i32
      %get3A_225 = arith.index_cast %get3A_224 : i32 to index
      %get3A_226 = arith.index_cast %mul3A_223 : i32 to index
      %get3A_227 = tpu.vector_load %arg11[%get3A_225, %get3A_226] {strides = array<i32>} : memref<16x640xf32, #tpu.memory_space<vmem>>, vector<16xf32>,
      %add3A_228 = arith.addf %add3A_221, %get3A_227 : vector<16xf32>
      %mul3A_229 = arith.constant 16 : i32
      %mul3A_230 = arith.muli %scan3A_125, %mul3A_229 : i32
      %get3A_231 = arith.constant 15 : i32
      %get3A_232 = arith.index_cast %get3A_231 : i32 to index
      %get3A_233 = arith.index_cast %mul3A_230 : i32 to index
      %get3A_234 = tpu.vector_load %arg11[%get3A_232, %get3A_233] {strides = array<i32>} : memref<16x640xf32, #tpu.memory_space<vmem>>, vector<16xf32>,
      %add3A_235 = arith.addf %add3A_228, %get3A_234 : vector<16xf32>
      %mul3A_236 = arith.constant 16 : i32
      %mul3A_237 = arith.muli %scan3A_125, %mul3A_236 : i32
      %swap3A = arith.index_cast %mul3A_237 : i32 to index
      %swap3A_238 = tpu.vector_load %arg13[%swap3A] {strides = array<i32>} : memref<640xf32, #tpu.memory_space<vmem>>, vector<16xf32>,
      tpu.vector_store %arg13[%swap3A], %add3A_235 {strides = array<i32>} : memref<640xf32, #tpu.memory_space<vmem>>, vector<16xf32>,
    }
    %scan3A_105 = arith.constant 40 : i32
    %dma_wait3A_106 = arith.constant 0 : i32
    %dma_wait3A_107 = tpu.memref_slice %arg16[%dma_wait3A_106, %mul3A_91] : memref<16x10240xf32, #tpu.memory_space<vmem_shared>> -> memref<16x640xf32, #tpu.memory_space<vmem_shared>>
    %dma_wait3A_108 = arith.constant 0 : i32
    %dma_wait3A_109 = tpu.memref_slice %arg16[%dma_wait3A_108, %mul3A_91] : memref<16x10240xf32, #tpu.memory_space<vmem_shared>> -> memref<16x640xf32, #tpu.memory_space<vmem_shared>>
    tpu.wait_dma2 semaphore(%arg17 : memref<!tpu.dma_semaphore, #tpu.memory_space<semaphore_mem>>) src(%dma_wait3A_109 : memref<16x640xf32, #tpu.memory_space<vmem_shared>>) dst(%arg12 : memref<16x640xf32, #tpu.memory_space<vmem>>)
    %get3A_110 = arith.constant 0 : index
    %get3A_111 = tpu.vector_load %arg14[%get3A_110] {strides = array<i32>} : memref<16xf32, #tpu.memory_space<vmem>>, vector<16xf32>,
    %slice3A = vector.extract_strided_slice %get3A_111 {offsets = [0], sizes = [1], strides = [1]} : vector<16xf32> to vector<1xf32>
    %squeeze3A = vector.extract %slice3A[0] : f32 from vector<1xf32>
    %broadcast_in_dim3A_112 = vector.broadcast %squeeze3A : f32 to vector<16xf32>
    %scan3A_113 = arith.constant 0 : i32
    %scan3A_114 = arith.constant 0 : i32
    %scan3A_115 = arith.constant 40 : i32
    %scan3A_116 = arith.addi %scan3A_114, %scan3A_115 : i32
    %scan3A_117 = arith.constant 1 : i32
    scf.for %scan3A_125 = %scan3A_114 to %scan3A_116 step %scan3A_117  : i32 {
      %mul3A_126 = arith.constant 16 : i32
      %mul3A_127 = arith.muli %scan3A_125, %mul3A_126 : i32
      %get3A_128 = arith.constant 0 : i32
      %get3A_129 = arith.index_cast %get3A_128 : i32 to index
      %get3A_130 = arith.index_cast %mul3A_127 : i32 to index
      %get3A_131 = tpu.vector_load %arg12[%get3A_129, %get3A_130] {strides = array<i32>} : memref<16x640xf32, #tpu.memory_space<vmem>>, vector<16xf32>,
      %mul3A_132 = arith.constant 16 : i32
      %mul3A_133 = arith.muli %scan3A_125, %mul3A_132 : i32
      %get3A_134 = arith.constant 1 : i32
      %get3A_135 = arith.index_cast %get3A_134 : i32 to index
      %get3A_136 = arith.index_cast %mul3A_133 : i32 to index
      %get3A_137 = tpu.vector_load %arg12[%get3A_135, %get3A_136] {strides = array<i32>} : memref<16x640xf32, #tpu.memory_space<vmem>>, vector<16xf32>,
      %add3A = arith.addf %get3A_131, %get3A_137 : vector<16xf32>
      %mul3A_138 = arith.constant 16 : i32
      %mul3A_139 = arith.muli %scan3A_125, %mul3A_138 : i32
      %get3A_140 = arith.constant 2 : i32
      %get3A_141 = arith.index_cast %get3A_140 : i32 to index
      %get3A_142 = arith.index_cast %mul3A_139 : i32 to index
      %get3A_143 = tpu.vector_load %arg12[%get3A_141, %get3A_142] {strides = array<i32>} : memref<16x640xf32, #tpu.memory_space<vmem>>, vector<16xf32>,
      %add3A_144 = arith.addf %add3A, %get3A_143 : vector<16xf32>
      %mul3A_145 = arith.constant 16 : i32
      %mul3A_146 = arith.muli %scan3A_125, %mul3A_145 : i32
      %get3A_147 = arith.constant 3 : i32
      %get3A_148 = arith.index_cast %get3A_147 : i32 to index
      %get3A_149 = arith.index_cast %mul3A_146 : i32 to index
      %get3A_150 = tpu.vector_load %arg12[%get3A_148, %get3A_149] {strides = array<i32>} : memref<16x640xf32, #tpu.memory_space<vmem>>, vector<16xf32>,
      %add3A_151 = arith.addf %add3A_144, %get3A_150 : vector<16xf32>
      %mul3A_152 = arith.constant 16 : i32
      %mul3A_153 = arith.muli %scan3A_125, %mul3A_152 : i32
      %get3A_154 = arith.constant 4 : i32
      %get3A_155 = arith.index_cast %get3A_154 : i32 to index
      %get3A_156 = arith.index_cast %mul3A_153 : i32 to index
      %get3A_157 = tpu.vector_load %arg12[%get3A_155, %get3A_156] {strides = array<i32>} : memref<16x640xf32, #tpu.memory_space<vmem>>, vector<16xf32>,
      %add3A_158 = arith.addf %add3A_151, %get3A_157 : vector<16xf32>
      %mul3A_159 = arith.constant 16 : i32
      %mul3A_160 = arith.muli %scan3A_125, %mul3A_159 : i32
      %get3A_161 = arith.constant 5 : i32
      %get3A_162 = arith.index_cast %get3A_161 : i32 to index
      %get3A_163 = arith.index_cast %mul3A_160 : i32 to index
      %get3A_164 = tpu.vector_load %arg12[%get3A_162, %get3A_163] {strides = array<i32>} : memref<16x640xf32, #tpu.memory_space<vmem>>, vector<16xf32>,
      %add3A_165 = arith.addf %add3A_158, %get3A_164 : vector<16xf32>
      %mul3A_166 = arith.constant 16 : i32
      %mul3A_167 = arith.muli %scan3A_125, %mul3A_166 : i32
      %get3A_168 = arith.constant 6 : i32
      %get3A_169 = arith.index_cast %get3A_168 : i32 to index
      %get3A_170 = arith.index_cast %mul3A_167 : i32 to index
      %get3A_171 = tpu.vector_load %arg12[%get3A_169, %get3A_170] {strides = array<i32>} : memref<16x640xf32, #tpu.memory_space<vmem>>, vector<16xf32>,
      %add3A_172 = arith.addf %add3A_165, %get3A_171 : vector<16xf32>
      %mul3A_173 = arith.constant 16 : i32
      %mul3A_174 = arith.muli %scan3A_125, %mul3A_173 : i32
      %get3A_175 = arith.constant 7 : i32
      %get3A_176 = arith.index_cast %get3A_175 : i32 to index
      %get3A_177 = arith.index_cast %mul3A_174 : i32 to index
      %get3A_178 = tpu.vector_load %arg12[%get3A_176, %get3A_177] {strides = array<i32>} : memref<16x640xf32, #tpu.memory_space<vmem>>, vector<16xf32>,
      %add3A_179 = arith.addf %add3A_172, %get3A_178 : vector<16xf32>
      %mul3A_180 = arith.constant 16 : i32
      %mul3A_181 = arith.muli %scan3A_125, %mul3A_180 : i32
      %get3A_182 = arith.constant 8 : i32
      %get3A_183 = arith.index_cast %get3A_182 : i32 to index
      %get3A_184 = arith.index_cast %mul3A_181 : i32 to index
      %get3A_185 = tpu.vector_load %arg12[%get3A_183, %get3A_184] {strides = array<i32>} : memref<16x640xf32, #tpu.memory_space<vmem>>, vector<16xf32>,
      %add3A_186 = arith.addf %add3A_179, %get3A_185 : vector<16xf32>
      %mul3A_187 = arith.constant 16 : i32
      %mul3A_188 = arith.muli %scan3A_125, %mul3A_187 : i32
      %get3A_189 = arith.constant 9 : i32
      %get3A_190 = arith.index_cast %get3A_189 : i32 to index
      %get3A_191 = arith.index_cast %mul3A_188 : i32 to index
      %get3A_192 = tpu.vector_load %arg12[%get3A_190, %get3A_191] {strides = array<i32>} : memref<16x640xf32, #tpu.memory_space<vmem>>, vector<16xf32>,
      %add3A_193 = arith.addf %add3A_186, %get3A_192 : vector<16xf32>
      %mul3A_194 = arith.constant 16 : i32
      %mul3A_195 = arith.muli %scan3A_125, %mul3A_194 : i32
      %get3A_196 = arith.constant 10 : i32
      %get3A_197 = arith.index_cast %get3A_196 : i32 to index
      %get3A_198 = arith.index_cast %mul3A_195 : i32 to index
      %get3A_199 = tpu.vector_load %arg12[%get3A_197, %get3A_198] {strides = array<i32>} : memref<16x640xf32, #tpu.memory_space<vmem>>, vector<16xf32>,
      %add3A_200 = arith.addf %add3A_193, %get3A_199 : vector<16xf32>
      %mul3A_201 = arith.constant 16 : i32
      %mul3A_202 = arith.muli %scan3A_125, %mul3A_201 : i32
      %get3A_203 = arith.constant 11 : i32
      %get3A_204 = arith.index_cast %get3A_203 : i32 to index
      %get3A_205 = arith.index_cast %mul3A_202 : i32 to index
      %get3A_206 = tpu.vector_load %arg12[%get3A_204, %get3A_205] {strides = array<i32>} : memref<16x640xf32, #tpu.memory_space<vmem>>, vector<16xf32>,
      %add3A_207 = arith.addf %add3A_200, %get3A_206 : vector<16xf32>
      %mul3A_208 = arith.constant 16 : i32
      %mul3A_209 = arith.muli %scan3A_125, %mul3A_208 : i32
      %get3A_210 = arith.constant 12 : i32
      %get3A_211 = arith.index_cast %get3A_210 : i32 to index
      %get3A_212 = arith.index_cast %mul3A_209 : i32 to index
      %get3A_213 = tpu.vector_load %arg12[%get3A_211, %get3A_212] {strides = array<i32>} : memref<16x640xf32, #tpu.memory_space<vmem>>, vector<16xf32>,
      %add3A_214 = arith.addf %add3A_207, %get3A_213 : vector<16xf32>
      %mul3A_215 = arith.constant 16 : i32
      %mul3A_216 = arith.muli %scan3A_125, %mul3A_215 : i32
      %get3A_217 = arith.constant 13 : i32
      %get3A_218 = arith.index_cast %get3A_217 : i32 to index
      %get3A_219 = arith.index_cast %mul3A_216 : i32 to index
      %get3A_220 = tpu.vector_load %arg12[%get3A_218, %get3A_219] {strides = array<i32>} : memref<16x640xf32, #tpu.memory_space<vmem>>, vector<16xf32>,
      %add3A_221 = arith.addf %add3A_214, %get3A_220 : vector<16xf32>
      %mul3A_222 = arith.constant 16 : i32
      %mul3A_223 = arith.muli %scan3A_125, %mul3A_222 : i32
      %get3A_224 = arith.constant 14 : i32
      %get3A_225 = arith.index_cast %get3A_224 : i32 to index
      %get3A_226 = arith.index_cast %mul3A_223 : i32 to index
      %get3A_227 = tpu.vector_load %arg12[%get3A_225, %get3A_226] {strides = array<i32>} : memref<16x640xf32, #tpu.memory_space<vmem>>, vector<16xf32>,
      %add3A_228 = arith.addf %add3A_221, %get3A_227 : vector<16xf32>
      %mul3A_229 = arith.constant 16 : i32
      %mul3A_230 = arith.muli %scan3A_125, %mul3A_229 : i32
      %get3A_231 = arith.constant 15 : i32
      %get3A_232 = arith.index_cast %get3A_231 : i32 to index
      %get3A_233 = arith.index_cast %mul3A_230 : i32 to index
      %get3A_234 = tpu.vector_load %arg12[%get3A_232, %get3A_233] {strides = array<i32>} : memref<16x640xf32, #tpu.memory_space<vmem>>, vector<16xf32>,
      %add3A_235 = arith.addf %add3A_228, %get3A_234 : vector<16xf32>
      %mul3A_236 = arith.constant 16 : i32
      %mul3A_237 = arith.muli %scan3A_125, %mul3A_236 : i32
      %get3A_238 = arith.index_cast %mul3A_237 : i32 to index
      %get3A_239 = tpu.vector_load %arg13[%get3A_238] {strides = array<i32>} : memref<640xf32, #tpu.memory_space<vmem>>, vector<16xf32>,
      %max3A = arith.constant 1.000000e+00 : f32
      %max3A_240 = vector.broadcast %max3A : f32 to vector<16xf32>
      %max3A_241 = arith.maximumf %add3A_235, %max3A_240 : vector<16xf32>
      %div3A = arith.divf %get3A_239, %max3A_241 : vector<16xf32>
      %add3A_242 = arith.addf %div3A, %broadcast_in_dim3A_112 : vector<16xf32>
      %swap3A = arith.index_cast %mul3A_237 : i32 to index
      %swap3A_243 = tpu.vector_load %arg13[%swap3A] {strides = array<i32>} : memref<640xf32, #tpu.memory_space<vmem>>, vector<16xf32>,
      tpu.vector_store %arg13[%swap3A], %add3A_242 {strides = array<i32>} : memref<640xf32, #tpu.memory_space<vmem>>, vector<16xf32>,
    }
    %scan3A_118 = arith.constant 40 : i32
    %ne3A = arith.constant 15 : i32
    %ne3A_119 = arith.cmpi ne, %arg1, %ne3A : i32
    %convert_element_type3A = arith.extui %ne3A_119 : i1 to i32
    %cond3A = arith.constant 0 : i32
    %cond3A_120 = arith.cmpi ne, %convert_element_type3A, %cond3A : i32
    scf.if %cond3A_120 {
      %mul3A_125 = arith.constant 640 : i32
      %mul3A_126 = arith.muli %arg1, %mul3A_125 : i32
      "tpu.region"() ({
        %run_scoped3A = tpu.sem_alloc : memref<!tpu.dma_semaphore, #tpu.memory_space<semaphore_mem>>
        %dma_start3A_127 = tpu.memref_slice %arg5[%mul3A_126] : memref<10000xf32, #tpu.memory_space<hbm>> -> memref<640xf32, #tpu.memory_space<hbm>>
        %dma_start3A_128 = tpu.memref_slice %arg5[%mul3A_126] : memref<10000xf32, #tpu.memory_space<hbm>> -> memref<640xf32, #tpu.memory_space<hbm>>
        tpu.enqueue_dma source(%arg13 : memref<640xf32, #tpu.memory_space<vmem>>) target(%dma_start3A_128 : memref<640xf32, #tpu.memory_space<hbm>>) target_semaphore(%run_scoped3A : memref<!tpu.dma_semaphore, #tpu.memory_space<semaphore_mem>>)
        %dma_wait3A_129 = tpu.memref_slice %arg5[%mul3A_126] : memref<10000xf32, #tpu.memory_space<hbm>> -> memref<640xf32, #tpu.memory_space<hbm>>
        %dma_wait3A_130 = tpu.memref_slice %arg5[%mul3A_126] : memref<10000xf32, #tpu.memory_space<hbm>> -> memref<640xf32, #tpu.memory_space<hbm>>
        tpu.wait_dma2 semaphore(%run_scoped3A : memref<!tpu.dma_semaphore, #tpu.memory_space<semaphore_mem>>) src(%arg13 : memref<640xf32, #tpu.memory_space<vmem>>) dst(%dma_wait3A_130 : memref<640xf32, #tpu.memory_space<hbm>>)
        tpu.yield
      }) : () -> ()
    } else {
    }
    %eq3A = arith.constant 15 : i32
    %eq3A_121 = arith.cmpi eq, %arg1, %eq3A : i32
    %convert_element_type3A_122 = arith.extui %eq3A_121 : i1 to i32
    %cond3A_123 = arith.constant 0 : i32
    %cond3A_124 = arith.cmpi ne, %convert_element_type3A_122, %cond3A_123 : i32
    scf.if %cond3A_124 {
      "tpu.region"() ({
        %run_scoped3A = tpu.sem_alloc : memref<!tpu.dma_semaphore, #tpu.memory_space<semaphore_mem>>
        %dma_start3A_125 = arith.constant 0 : i32
        %dma_start3A_126 = tpu.memref_slice %arg13[%dma_start3A_125] : memref<640xf32, #tpu.memory_space<vmem>> -> memref<400xf32, #tpu.memory_space<vmem>>
        %dma_start3A_127 = arith.constant 9600 : i32
        %dma_start3A_128 = tpu.memref_slice %arg5[%dma_start3A_127] : memref<10000xf32, #tpu.memory_space<hbm>> -> memref<400xf32, #tpu.memory_space<hbm>>
        %dma_start3A_129 = arith.constant 9600 : i32
        %dma_start3A_130 = tpu.memref_slice %arg5[%dma_start3A_129] : memref<10000xf32, #tpu.memory_space<hbm>> -> memref<400xf32, #tpu.memory_space<hbm>>
        %dma_start3A_131 = arith.constant 0 : i32
        %dma_start3A_132 = tpu.memref_slice %arg13[%dma_start3A_131] : memref<640xf32, #tpu.memory_space<vmem>> -> memref<400xf32, #tpu.memory_space<vmem>>
        tpu.enqueue_dma source(%dma_start3A_132 : memref<400xf32, #tpu.memory_space<vmem>>) target(%dma_start3A_130 : memref<400xf32, #tpu.memory_space<hbm>>) target_semaphore(%run_scoped3A : memref<!tpu.dma_semaphore, #tpu.memory_space<semaphore_mem>>)
        %dma_wait3A_133 = arith.constant 0 : i32
        %dma_wait3A_134 = tpu.memref_slice %arg13[%dma_wait3A_133] : memref<640xf32, #tpu.memory_space<vmem>> -> memref<400xf32, #tpu.memory_space<vmem>>
        %dma_wait3A_135 = arith.constant 9600 : i32
        %dma_wait3A_136 = tpu.memref_slice %arg5[%dma_wait3A_135] : memref<10000xf32, #tpu.memory_space<hbm>> -> memref<400xf32, #tpu.memory_space<hbm>>
        %dma_wait3A_137 = arith.constant 9600 : i32
        %dma_wait3A_138 = tpu.memref_slice %arg5[%dma_wait3A_137] : memref<10000xf32, #tpu.memory_space<hbm>> -> memref<400xf32, #tpu.memory_space<hbm>>
        %dma_wait3A_139 = arith.constant 0 : i32
        %dma_wait3A_140 = tpu.memref_slice %arg13[%dma_wait3A_139] : memref<640xf32, #tpu.memory_space<vmem>> -> memref<400xf32, #tpu.memory_space<vmem>>
        tpu.wait_dma2 semaphore(%run_scoped3A : memref<!tpu.dma_semaphore, #tpu.memory_space<semaphore_mem>>) src(%dma_wait3A_140 : memref<400xf32, #tpu.memory_space<vmem>>) dst(%dma_wait3A_138 : memref<400xf32, #tpu.memory_space<hbm>>)
        tpu.yield
      }) : () -> ()
    } else {
    }
    return
  }
}

module attributes {stable_mosaic.version = 14 : i64} {
  func.func @_proj_body(%arg0: i32, %arg1: memref<5000x256xf32, #tpu.memory_space<vmem>>, %arg2: memref<256x256xf32, #tpu.memory_space<vmem>>, %arg3: memref<256xf32, #tpu.memory_space<vmem>>, %arg4: memref<1x256xf32, #tpu.memory_space<vmem>>, %arg5: memref<5000x1xf32, #tpu.memory_space<vmem>>) attributes {dimension_semantics = [#tpu.dimension_semantics<arbitrary>], iteration_bounds = array<i64: 2>, scalar_prefetch = 0 : i64, scratch_operands = 0 : i64, tpu.core_type = #tpu.core_type<tc>, window_params = [{transform_indices = @transform_0, window_bounds = array<i64: 5000, 256>}, {pipeline_mode = #tpu.pipeline_mode<synchronous>, transform_indices = @transform_1, window_bounds = array<i64: 256, 256>}, {pipeline_mode = #tpu.pipeline_mode<synchronous>, transform_indices = @transform_2, window_bounds = array<i64: 256>}, {pipeline_mode = #tpu.pipeline_mode<synchronous>, transform_indices = @transform_3, window_bounds = array<i64: 1, 256>}, {transform_indices = @transform_4, window_bounds = array<i64: 5000, 1>}]} {
    %get3A = arith.constant 0 : index
    %get3A_0 = arith.constant 0 : index
    %get3A_1 = vector.load %arg1[%get3A, %get3A_0] : memref<5000x256xf32, #tpu.memory_space<vmem>>, vector<5000x256xf32>
    %get3A_2 = arith.constant 0 : index
    %get3A_3 = arith.constant 0 : index
    %get3A_4 = vector.load %arg2[%get3A_2, %get3A_3] : memref<256x256xf32, #tpu.memory_space<vmem>>, vector<256x256xf32>
    %dot_general3A = arith.constant dense<0.000000e+00> : vector<5000x256xf32>
    %dot_general3A_5 = tpu.matmul %get3A_1, %get3A_4, %dot_general3A {dimension_numbers = #tpu.dot_dimension_numbers<[1], [1], [0], [0], [0, 0, 1, 0], [], []>, precision = #tpu.contract_precision<fp32>, transpose_lhs_hint = false} : vector<5000x256xf32>, vector<256x256xf32>, vector<5000x256xf32> -> vector<5000x256xf32>
    %get3A_6 = arith.constant 0 : index
    %get3A_7 = vector.load %arg3[%get3A_6] : memref<256xf32, #tpu.memory_space<vmem>>, vector<256xf32>
    %broadcast_in_dim3A = vector.shape_cast %get3A_7 : vector<256xf32> to vector<1x256xf32>
    %add3A = vector.broadcast %broadcast_in_dim3A : vector<1x256xf32> to vector<5000x256xf32>
    %add3A_8 = arith.addf %dot_general3A_5, %add3A : vector<5000x256xf32>
    %max3A = arith.constant 0.000000e+00 : f32
    %max3A_9 = vector.broadcast %max3A : f32 to vector<5000x256xf32>
    %max3A_10 = arith.maximumf %add3A_8, %max3A_9 : vector<5000x256xf32>
    %get3A_11 = arith.constant 0 : index
    %get3A_12 = arith.constant 0 : index
    %get3A_13 = vector.load %arg4[%get3A_11, %get3A_12] : memref<1x256xf32, #tpu.memory_space<vmem>>, vector<1x256xf32>
    %dot_general3A_14 = arith.constant dense<0.000000e+00> : vector<5000x1xf32>
    %dot_general3A_15 = tpu.matmul %max3A_10, %get3A_13, %dot_general3A_14 {dimension_numbers = #tpu.dot_dimension_numbers<[1], [1], [0], [0], [0, 0, 1, 0], [], []>, precision = #tpu.contract_precision<fp32>, transpose_lhs_hint = false} : vector<5000x256xf32>, vector<1x256xf32>, vector<5000x1xf32> -> vector<5000x1xf32>
    %swap3A = arith.constant 0 : index
    %swap3A_16 = arith.constant 0 : index
    %swap3A_17 = vector.load %arg5[%swap3A, %swap3A_16] : memref<5000x1xf32, #tpu.memory_space<vmem>>, vector<5000x1xf32>
    tpu.vector_store %arg5[%swap3A, %swap3A_16], %dot_general3A_15 {strides = array<i32>} : memref<5000x1xf32, #tpu.memory_space<vmem>>, vector<5000x1xf32>,
    return
  }
  func.func @transform_0(%arg0: i32) -> (i32, i32) {
    %c0_i32 = arith.constant 0 : i32
    %c0_i32_0 = arith.constant 0 : i32
    return %arg0, %c0_i32 : i32, i32
  }
  func.func @transform_1(%arg0: i32) -> (i32, i32) {
    %c0_i32 = arith.constant 0 : i32
    %c0_i32_0 = arith.constant 0 : i32
    %c0_i32_1 = arith.constant 0 : i32
    return %c0_i32, %c0_i32_0 : i32, i32
  }
  func.func @transform_2(%arg0: i32) -> i32 {
    %c0_i32 = arith.constant 0 : i32
    %c0_i32_0 = arith.constant 0 : i32
    return %c0_i32 : i32
  }
  func.func @transform_3(%arg0: i32) -> (i32, i32) {
    %c0_i32 = arith.constant 0 : i32
    %c0_i32_0 = arith.constant 0 : i32
    %c0_i32_1 = arith.constant 0 : i32
    return %c0_i32, %c0_i32_0 : i32, i32
  }
  func.func @transform_4(%arg0: i32) -> (i32, i32) {
    %c0_i32 = arith.constant 0 : i32
    %c0_i32_0 = arith.constant 0 : i32
    return %arg0, %c0_i32 : i32, i32
  }
}

</mosaic_0001>

<sc_bundles>
// kernel: kernel.4.cloned.1.call-start
scs
__scs_entry_jumppad:
0x0: {  	(pc) =	sbr.rel $0x88, $3  }
0x1: {  	(tag) =	ssettag $0x0;
	lr =	simm.s32 $0x1  }
0x2: {  	[smem:$0x3F9B] =	sst lr;
	_ =	strace $0xD0000000  }
0x3: {  	_ = 	snop  }
0x4: {  	_ = 	snop  }
0x5: {  	_ = 	snop  }
0x6: {  	_ = 	snop  }
0x7: {  	_ = 	snop  }
__scs_overlays_trampoline_lowered:
0x8: {  	[smem:$0x3FAA] =	sst s0  }
0x9: {  	[smem:$0x3FAB] =	sst s1  }
0xa: {  	[smem:$0x3FAC] =	sst s2  }
0xb: {  	[smem:$0x3FAD] =	sst s3  }
0xc: {  	[smem:$0x3FAE] =	sst s4  }
0xd: {  	[smem:$0x3FAF] =	sst s5  }
0xe: {  	[smem:$0x3FB0] =	sst s6  }
0xf: {  	[smem:$0x3FB1] =	sst s7  }
0x10: {  	[smem:$0x3FB2] =	sst s8  }
0x11: {  	[smem:$0x3FB3] =	sst s9;
	s0 =	simm.s32 @!p0 $0x0  }
0x12: {  	s1 =	sld [smem:$0x3F99];
	s0 =	simm.s32 @p0 $0x1  }
0x13: {  	[smem:$0x3FB4] =	sst s0;
	s0 =	simm.s32 @!p1 $0x0  }
0x14: {  	s2 =	sld [smem:$0x3F98];
	s0 =	simm.s32 @p1 $0x1  }
0x15: {  	[smem:$0x3FB5] =	sst s0;
	s0 =	simm.s32 @!p2 $0x0  }
0x16: {  	s3 =	sld [smem:$0x3FDB];
	s0 =	simm.s32 @p2 $0x1  }
0x17: {  	s4 =	simm.s32 $0x1BF5;
	[smem:$0x3FB7] =	sst s0  }
0x18: {  	s0 =	sld [smem:$0x3F9A];
	_ =	swait.ge [sflag:s4], $0x0  }
0x19: {  	s7 =	sld [smem:$0x3F9B]  }
0x1a: {  	s8 =	sadd.s32 $0xFFFFE003, lr  }
0x1b: {  	s9 =	sadd.s32 $0xFFFFFEF7, lr;
	s5 =	simm.s32 $0xFFFFFFFF;
	p2 =	slt.u32 s8, $0xFFFFF086  }
0x1c: {  	p1 =	slt.u32 s9, $0xF7A;
	s5 =	simm.s32 @!p2 $0x0  }
0x1d: {  	s5 =	simm.s32 @p1 $0x1;
	p0 =	seq.s32 s7, s2  }
0x1e: {  	s7 =	smul.u32 @!p0 $0xF7A, s2;
	p2 =	seq.s32 @!p0 s5, $0x0  }
0x1f: {  	s9 =	smul.u32 $0xF7A, s1;
	s8 =	simm.s32 @!p0 $0x1BF5;
	p2 =	por !p2, p0  }
0x20: {  	[sflag:s8] =	ssyncset.s32 @!p0 $0xFFFFF086;
	s6 =	sadd.s32 @!p0 s3, s7;
	s7 =	simm.s32 @!p0 $0x108  }
0x21: {  	s3 =	sadd.s32 s3, s9;
	s6 =	sadd.s32 @!p0 $0x88, s6;
	s7 =	simm.s32 @p2 $0x1082  }
0x22: {  	[simem:s7], [sflag:s8] =	dma.local @!p0 [hbm:s6], $0xF7A  }
0x23: {  	s9 =	sor.u32 $0xD0000000, s2;
	s6 =	simm.s32 $0x108;
	_ =	swait.ge @!p0 [sflag:s8], $0x0  }
0x24: {  	s3 =	sadd.s32 $0x88, s3;
	s6 =	simm.s32 @!p1 $0x1082;
	[sflag:s4] =	ssyncset.s32 $0xFFFFF086  }
0x25: {  	[simem:s6], [sflag:s4] =	dma.local [hbm:s3], $0xF7A  }
0x26: {  	[smem:$0x3F9B] =	sst s1;
	(tag) =	ssettag s2;
	_ =	strace s9  }
0x27: {  	s1 =	sld [smem:$0x3FAB]  }
0x28: {  	s2 =	sld [smem:$0x3FAC]  }
0x29: {  	s4 =	sld [smem:$0x3FAE]  }
0x2a: {  	p0 =	seq.s32 s5, $0x0;
	s5 =	sld [smem:$0x3FAF]  }
0x2b: {  	s6 =	sld [smem:$0x3FB0]  }
0x2c: {  	s7 =	sld [smem:$0x3FB1]  }
0x2d: {  	s3 =	simm.s32 $0x108;
	s8 =	sld [smem:$0x3FB2]  }
0x2e: {  	s3 =	simm.s32 @!p0 $0x1082;
	s9 =	sld [smem:$0x3FB3]  }
0x2f: {  	lr =	sadd.s32 s0, s3;
	s0 =	sld [smem:$0x3FAA]  }
0x30: {  	s3 =	sld [smem:$0x3FAD]  }
0x31: {  	[smem:$0x3FB6] =	sst s10  }
0x32: {  	s10 =	sld [smem:$0x3FB4];
	_ =	sdelay $0x3  }
0x33: {  	p0 =	seq.s32 s10, $0x1;
	s10 =	sld [smem:$0x3FB6];
	_ =	sdelay $0x3  }
0x34: {  	[smem:$0x3FB6] =	sst s10  }
0x35: {  	s10 =	sld [smem:$0x3FB5];
	_ =	sdelay $0x3  }
0x36: {  	p1 =	seq.s32 s10, $0x1;
	s10 =	sld [smem:$0x3FB6];
	_ =	sdelay $0x3  }
0x37: {  	[smem:$0x3FB6] =	sst s10  }
0x38: {  	s10 =	sld [smem:$0x3FB7]  }
0x39: {  	_ = 	snop;
	(pc) =	sbr.ind lr, $3  }
0x3a: {  	_ = 	snop  }
0x3b: {  	_ = 	snop  }
0x3c: {  	p2 =	seq.s32 s10, $0x1;
	s10 =	sld [smem:$0x3FB6]  }
0x3d: {  	_ =	shalt  }
0x3e: {  	_ =	shalt  }
0x3f: {  	_ =	shalt  }
0x40: {  	_ =	shalt  }
0x41: {  	_ =	shalt  }
0x42: {  	_ =	shalt  }
0x43: {  	_ =	shalt  }
0x44: {  	_ =	shalt  }
0x45: {  	_ =	shalt  }
0x46: {  	_ =	shalt  }
0x47: {  	_ =	shalt  }
0x48: {  	_ =	shalt  }
0x49: {  	_ =	shalt  }
0x4a: {  	_ =	shalt  }
0x4b: {  	_ =	shalt  }
0x4c: {  	_ =	shalt  }
0x4d: {  	_ =	shalt  }
0x4e: {  	_ =	shalt  }
0x4f: {  	_ =	shalt  }
0x50: {  	_ =	shalt  }
0x51: {  	_ =	shalt  }
0x52: {  	_ =	shalt  }
0x53: {  	_ =	shalt  }
0x54: {  	_ =	shalt  }
0x55: {  	_ =	shalt  }
0x56: {  	_ =	shalt  }
0x57: {  	_ =	shalt  }
0x58: {  	_ =	shalt  }
0x59: {  	_ =	shalt  }
0x5a: {  	_ =	shalt  }
0x5b: {  	_ =	shalt  }
0x5c: {  	_ =	shalt  }
0x5d: {  	_ =	shalt  }
0x5e: {  	_ =	shalt  }
0x5f: {  	_ =	shalt  }
0x60: {  	_ =	shalt  }
0x61: {  	_ =	shalt  }
0x62: {  	_ =	shalt  }
0x63: {  	_ =	shalt  }
0x64: {  	_ =	shalt  }
0x65: {  	_ =	shalt  }
0x66: {  	_ =	shalt  }
0x67: {  	_ =	shalt  }
0x68: {  	_ =	shalt  }
0x69: {  	_ =	shalt  }
0x6a: {  	_ =	shalt  }
0x6b: {  	_ =	shalt  }
0x6c: {  	_ =	shalt  }
0x6d: {  	_ =	shalt  }
0x6e: {  	_ =	shalt  }
0x6f: {  	_ =	shalt  }
0x70: {  	_ =	shalt  }
0x71: {  	_ =	shalt  }
0x72: {  	_ =	shalt  }
0x73: {  	_ =	shalt  }
0x74: {  	_ =	shalt  }
0x75: {  	_ =	shalt  }
0x76: {  	_ =	shalt  }
0x77: {  	_ =	shalt  }
0x78: {  	_ =	shalt  }
0x79: {  	_ =	shalt  }
0x7a: {  	_ =	shalt  }
0x7b: {  	_ =	shalt  }
0x7c: {  	_ =	shalt  }
0x7d: {  	_ =	shalt  }
0x7e: {  	_ =	shalt  }
0x7f: {  	_ =	shalt  }
0x80: {  	_ =	shalt  }
0x81: {  	_ =	shalt  }
0x82: {  	_ =	shalt  }
0x83: {  	_ =	shalt  }
0x84: {  	_ =	shalt  }
0x85: {  	_ =	shalt  }
0x86: {  	_ =	shalt  }
0x87: {  	_ =	shalt  }
.Lfunc_end0:
.L_simem_size_0:
called_computation_lowered:
.L_overlay_start_0:
0x88: {  	s0 =	sld [smem:$0x3FD9]  }
0x89: {  	s1 =	sld [smem:$0x3FFE];
	_ =	sdelay $0x3  }
0x8a: {  	s0 =	sadd.s32 s1, s0  }
0x8b: {  	[smem:$0x3FC2] =	sst s0  }
0x8c: {  	_ = 	snop  }
0x8d: {  	s0 =	sld [smem:$0x3FC4];
	(tm) =	ssettm $0x1  }
0x8e: {  	s16 =	sld [smem:$0x3FFB];
	_ =	sdelay $0x3  }
0x8f: {  	_ =	strace s16  }
0x90: {  	s1 =	sld [smem:$0x3FFC];
	_ =	sdelay $0x3  }
0x91: {  	_ =	strace s1  }
0x92: {  	s1 =	sld [smem:$0x3FFD];
	_ =	sdelay $0x3  }
0x93: {  	_ =	strace s1  }
0x94: {  	_ =	strace $0x8FFFFFFF  }
0x95: {  	s17 =	sld [smem:$0x3FDB];
	_ =	sdelay $0x1  }
0x96: {  	s2 =	simm.s32 $_scs_section_size  }
0x97: {  	s3 =	simm.s32 $_size__tile_overlayer_lowered;
	s4 =	simm.s32 $_tile_overlayer_lowered  }
0x98: {  	s20 =	simm.s32 $0x1BFF;
	s19 =	sshll.u32 s4, $0x1;
	s1 =	sadd.s32 s2, s17  }
0x99: {  	s5 =	simm.s32 $0x0;
	s18 =	sshll.u32 s3, $0x1;
	s3 =	sadd.s32 s19, s1  }
0x9a: {  	[timem:s5], [sflag:s20] =	dma.local [hbm:s3], s18  }
0x9b: {  	_ =	swait.ge [sflag:s20], s18  }
0x9c: {  	s2 =	ssub.s32 $0x0, s18;
	[sflag:s20] =	ssyncset.done $0x0  }
0x9d: {  	[sflag:s20] =	ssyncadd.s32 s2;
	_ =	sdelay $0x1  }
0x9e: {  	s21 =	simm.s32 $0x1B8B  }
0x9f: {  	_ =	swait.ge [sflag:s21], $0x1  }
0xa0: {  	[sflag:s21] =	ssyncset.done $0x0  }
0xa1: {  	s23 =	simm.s32 $0x1B8E;
	s22 =	sld [smem:$0x3FFE];
	[sflag:s21] =	ssyncadd.s32 $0xFFFFFFFF  }
0xa2: {  	s24 =	simm.s32 $execute0_lowered;
	[smem:$0x3FD2] =	sst s23  }
0xa3: {  	s3 =	sshll.u32 s24, $0x1;
	_ =	strace $0x80000046;
	[dreg:$0x1] =	wrdreg $0xFFFFFFFF  }
0xa4: {  	s25 =	simm.s32 $_size_execute0_lowered;
	s1 =	sadd.s32 s1, s3;
	[dreg:$0x0] =	wrdreg $0x0  }
0xa5: {  	s3 =	sshll.u32 s25, $0x1;
	[dreg:$0x2] =	wrdreg s1  }
0xa6: {  	[dreg:$0x3] =	wrdreg s3  }
0xa7: {  	[dreg:$0x4] =	wrdreg $0xC0  }
0xa8: {  	_ =	task [dreg:s5], $0x5FFFF  }
0xa9: {  	[dreg:$0x1] =	wrdreg $0xFFFFFFFF  }
0xaa: {  	[dreg:$0x0] =	wrdreg $0x60  }
0xab: {  	[dreg:$0x2] =	wrdreg s22  }
0xac: {  	[dreg:$0x3] =	wrdreg s0  }
0xad: {  	[dreg:$0x4] =	wrdreg $0x117C00  }
0xae: {  	[dreg:$0x5] =	wrdreg $0x13FC00  }
0xaf: {  	[dreg:$0x6] =	wrdreg $0x9  }
0xb0: {  	_ =	task.clear_ibuf [dreg:s5], $0x7FFFF;
	_ =	strace $0x90000046  }
0xb1: {  	s26 =	simm.s32 $0x9;
	_ =	strace $0x80000048  }
0xb2: {  	_ =	swait.ge [sflag:s26], $0x1  }
0xb3: {  	[sflag:s26] =	ssyncadd.s32 $0xFFFFFFFF  }
0xb4: {  	_ =	strace $0x90000048  }
0xb5: {  	_ =	sfence  }
0xb6: {  	s28 =	sld [smem:$0x0];
	_ =	sdelay $0x1  }
0xb7: {  	s29 =	srdreg.scid  }
0xb8: {  	s30 =	sshll.u32 s29, $0xD;
	s31 =	sshrl.u32 s29, $0x2  }
0xb9: {  	s2 =	sand.u32 $0x4000, s30;
	s1 =	sand.u32 $0x1, s29;
	s0 =	sadd.s32 s31, s28  }
0xba: {  	s1 =	sor.u32 s2, s1;
	s0 =	sshll.u32 s0, $0x11  }
0xbb: {  	s0 =	sor.u32 s0, s1  }
0xbc: {  	s0 =	sadd.s32 $0x8F2B, s0  }
0xbd: {  	[sflag:s0] =	ssyncadd.remote.s32 $0x1  }
0xbe: {  	_ =	sfence.sel $0xFFFF  }
0xbf: {  	[dreg:$0x0] =	wrdreg $0xFFFFFFFF;
	(pc) =	sbr.abs _section_cstart, $3  }
0xc0: {  	[dreg:$0x1] =	wrdreg $0xFFFFFFFF  }
0xc1: {  	_ =	task.clear_ibuf [dreg:s5], $0x2FFFF;
	_ =	strace $0x9FFFFFFF  }
0xc2: {  	(tm) =	ssettm $0x7FFFFFFF  }
0xc3: {  	_ =	shalt  }
tec
execute0_lowered:
.L_overlay_start_1:
0x0: {  	(tag) =	ssettag $0x1  }
0x1: {  	s2 =	rddreg [dreg:$0x0]  }
0x2: {  	s3 =	rddreg [dreg:$0x1]  }
0x3: {  	s5 =	rddreg [dreg:$0x2]  }
0x4: {  	s0 =	stileid.u32;
	s4 =	rddreg [dreg:$0x3]  }
0x5: {  	s1 =	rddreg [dreg:$0x4];
	s7 =	simm.s32 $0x0;
	s6 =	smul.u32 $0x2710, s0  }
0x6: {  	[smem:$0x7FF] =	sst s7  }
0x7: {  	s8 =	sadd.s32 $0xA600, s2;
	_ =	strace $0x80000047;
	s6 =	sshrl.u32 s6, $0x3  }
0x8: {  	[tilespmem:s7], [sflag:$0x1] =	stream.linear.gather [hbm4b:s8+s7], $0x2710, $0x38;
	[tilespmem:$0x167C0] =	vst v63  }
0x9: {  	s6 =	sadd.s32 s6, s2  }
0xa: {  	s9 =	simm.s32 $0x7710;
	s29 =	sadd.s32 $0x800, s6  }
0xb: {  	[tilespmem:s9], [sflag:$0x1] =	stream.linear.gather [hbm4b:s29+s7], $0x2710, $0x38;
	[tilespmem:$0x167C0] =	vst v63  }
0xc: {  	s30 =	simm.s32 $0x9E20;
	s6 =	sadd.s32 $0x5620, s6  }
0xd: {  	[tilespmem:s30], [sflag:$0x1] =	stream.linear.gather [hbm4b:s6+s7], $0x2710, $0x38;
	[tilespmem:$0x167C0] =	vst v63  }
0xe: {  	s31 =	simm.s32 $0x117B0  }
0xf: {  	[tilespmem:s31], [sflag:$0x1] =	stream.linear.gather [hbm4b:s3+s7], $0x1, $0x38;
	[tilespmem:$0x167C0] =	vst v63  }
0x10: {  	v0 =	vimm.f32 $0.0e+00;
	s2 =	sadd.s32 $0xAC00, s2;
	s6 =	simm.s32 $0x200;
	s3 =	simm.s32 $0x0  }
.LBB2_1:
0x11: {  	p0 =	sne.s32 s6, $0x9E00;
	[tilespmem:s3+$0x4F80] =	vst v0  }
0x12: {  	[tilespmem:s3+$0x2710] =	vst v0  }
0x13: {  	[tilespmem:s3+$0x4F10] =	vst v0  }
0x14: {  	[tilespmem:s3+$0x2720] =	vst v0  }
0x15: {  	[tilespmem:s3+$0x4F20] =	vst v0  }
0x16: {  	[tilespmem:s3+$0x2730] =	vst v0  }
0x17: {  	[tilespmem:s3+$0x4F30] =	vst v0  }
0x18: {  	[tilespmem:s3+$0x2740] =	vst v0  }
0x19: {  	[tilespmem:s3+$0x4F40] =	vst v0  }
0x1a: {  	[tilespmem:s3+$0x2750] =	vst v0  }
0x1b: {  	[tilespmem:s3+$0x4F50] =	vst v0  }
.Ltmp0:
0x1c: {  	[tilespmem:s3+$0x2760] =	vst v0;
	(pc) =	sbr.rel @p0 .LBB2_1-.Ltmp0, $4  }
0x1d: {  	[tilespmem:s3+$0x4F60] =	vst v0  }
0x1e: {  	[tilespmem:s3+$0x2770] =	vst v0  }
0x1f: {  	[tilespmem:s3+$0x4F70] =	vst v0  }
0x20: {  	[tilespmem:s3+$0x2780] =	vst v0;
	s3 =	sshra.s32 s6, $0x2;
	s6 =	sadd.s32 $0x200, s6  }
0x21: {  	[tilespmem:s3+$0x4F80] =	vst v0  }
0x22: {  	[tilespmem:s3+$0x2710] =	vst v0  }
0x23: {  	[tilespmem:s3+$0x4F10] =	vst v0  }
0x24: {  	[tilespmem:s3+$0x2720] =	vst v0  }
0x25: {  	[tilespmem:s3+$0x4F20] =	vst v0  }
0x26: {  	[tilespmem:s3+$0x2730] =	vst v0  }
0x27: {  	[tilespmem:s3+$0x4F30] =	vst v0  }
0x28: {  	[tilespmem:s3+$0x2740] =	vst v0  }
0x29: {  	[tilespmem:s3+$0x4F40] =	vst v0  }
0x2a: {  	[tilespmem:s3+$0x2750] =	vst v0  }
0x2b: {  	[tilespmem:s3+$0x4F50] =	vst v0  }
0x2c: {  	[tilespmem:s3+$0x2760] =	vst v0  }
0x2d: {  	[tilespmem:s3+$0x4F60] =	vst v0  }
0x2e: {  	[tilespmem:s3+$0x2770] =	vst v0  }
0x2f: {  	[tilespmem:s3+$0x4F70] =	vst v0  }
0x30: {  	[tilespmem:s3+$0x2780] =	vst v0;
	s31 =	simm.s32 $0x1  }
0x31: {  	_ =	swait.ge [sflag:s31], $0x2710  }
0x32: {  	[sflag:s31] =	ssyncset.done $0x0  }
0x33: {  	[sflag:s31] =	ssyncadd.s32 $0xFFFFD8F0  }
0x34: {  	_ =	swait.ge [sflag:s31], $0x2710  }
0x35: {  	[sflag:s31] =	ssyncset.done $0x0  }
0x36: {  	[sflag:s31] =	ssyncadd.s32 $0xFFFFD8F0  }
0x37: {  	_ =	swait.ge [sflag:s31], $0x2710  }
0x38: {  	[sflag:s31] =	ssyncset.done $0x0  }
0x39: {  	[sflag:s31] =	ssyncadd.s32 $0xFFFFD8F0  }
0x3a: {  	_ =	swait.ge [sflag:s31], $0x1  }
0x3b: {  	s3 =	simm.s32 $0x0;
	s6 =	simm.s32 $0x2710;
	[sflag:s31] =	ssyncset.done $0x0  }
0x3c: {  	v0 =	vimm.f32 $1.000000000e+00;
	s7 =	simm.s32 $0x4F10;
	s8 =	simm.s32 $0x0;
	[sflag:s31] =	ssyncadd.s32 $0xFFFFFFFF  }
.LBB2_3:
0x3d: {  	s9 =	sshra.s32 s8, $0x2  }
0x3e: {  	v1 =	vld [tilespmem:s9+$0x7710];
	_ =	sdelay $0x4  }
0x3f: {  	v2 =	vld [tilespmem:s9+$0x9E20];
	_ =	sdelay $0x2  }
0x40: {  	v1 =	vld.idx.msk [tilespmem:v1+s3+$0x0], $0xffff;
	_ =	sdelay $0x4  }
0x41: {  	[tilespmem:v2+s6+$0x0] =	vst.idx.add.f32.msk $0xffff, v1  }
0x42: {  	[tilespmem:v2+s7+$0x0] =	vst.idx.add.f32.msk $0xffff, v0  }
0x43: {  	v1 =	vld [tilespmem:s9+$0x7720];
	_ =	sdelay $0x4  }
0x44: {  	v2 =	vld [tilespmem:s9+$0x9E30];
	_ =	sdelay $0x2  }
0x45: {  	v1 =	vld.idx.msk [tilespmem:v1+s3+$0x0], $0xffff;
	_ =	sdelay $0x4  }
0x46: {  	[tilespmem:v2+s6+$0x0] =	vst.idx.add.f32.msk $0xffff, v1  }
0x47: {  	[tilespmem:v2+s7+$0x0] =	vst.idx.add.f32.msk $0xffff, v0  }
0x48: {  	v1 =	vld [tilespmem:s9+$0x7730];
	_ =	sdelay $0x4  }
0x49: {  	v2 =	vld [tilespmem:s9+$0x9E40];
	_ =	sdelay $0x2  }
0x4a: {  	v1 =	vld.idx.msk [tilespmem:v1+s3+$0x0], $0xffff;
	_ =	sdelay $0x4  }
0x4b: {  	[tilespmem:v2+s6+$0x0] =	vst.idx.add.f32.msk $0xffff, v1  }
0x4c: {  	[tilespmem:v2+s7+$0x0] =	vst.idx.add.f32.msk $0xffff, v0  }
0x4d: {  	v1 =	vld [tilespmem:s9+$0x7740];
	_ =	sdelay $0x4  }
0x4e: {  	v2 =	vld [tilespmem:s9+$0x9E50];
	_ =	sdelay $0x2  }
0x4f: {  	v1 =	vld.idx.msk [tilespmem:v1+s3+$0x0], $0xffff;
	_ =	sdelay $0x4  }
0x50: {  	[tilespmem:v2+s6+$0x0] =	vst.idx.add.f32.msk $0xffff, v1  }
0x51: {  	[tilespmem:v2+s7+$0x0] =	vst.idx.add.f32.msk $0xffff, v0  }
0x52: {  	v1 =	vld [tilespmem:s9+$0x7750];
	_ =	sdelay $0x4  }
0x53: {  	v2 =	vld [tilespmem:s9+$0x9E60];
	_ =	sdelay $0x2  }
0x54: {  	v1 =	vld.idx.msk [tilespmem:v1+s3+$0x0], $0xffff;
	_ =	sdelay $0x4  }
0x55: {  	[tilespmem:v2+s6+$0x0] =	vst.idx.add.f32.msk $0xffff, v1  }
0x56: {  	[tilespmem:v2+s7+$0x0] =	vst.idx.add.f32.msk $0xffff, v0  }
0x57: {  	v1 =	vld [tilespmem:s9+$0x7760];
	_ =	sdelay $0x4  }
0x58: {  	v2 =	vld [tilespmem:s9+$0x9E70];
	_ =	sdelay $0x2  }
0x59: {  	v1 =	vld.idx.msk [tilespmem:v1+s3+$0x0], $0xffff;
	_ =	sdelay $0x4  }
0x5a: {  	[tilespmem:v2+s6+$0x0] =	vst.idx.add.f32.msk $0xffff, v1  }
0x5b: {  	[tilespmem:v2+s7+$0x0] =	vst.idx.add.f32.msk $0xffff, v0  }
0x5c: {  	v1 =	vld [tilespmem:s9+$0x7770];
	_ =	sdelay $0x4  }
0x5d: {  	v2 =	vld [tilespmem:s9+$0x9E80];
	_ =	sdelay $0x2  }
0x5e: {  	v1 =	vld.idx.msk [tilespmem:v1+s3+$0x0], $0xffff;
	_ =	sdelay $0x4  }
0x5f: {  	[tilespmem:v2+s6+$0x0] =	vst.idx.add.f32.msk $0xffff, v1  }
0x60: {  	[tilespmem:v2+s7+$0x0] =	vst.idx.add.f32.msk $0xffff, v0  }
0x61: {  	v1 =	vld [tilespmem:s9+$0x7780];
	_ =	sdelay $0x4  }
0x62: {  	v2 =	vld [tilespmem:s9+$0x9E90];
	_ =	sdelay $0x2  }
0x63: {  	v1 =	vld.idx.msk [tilespmem:v1+s3+$0x0], $0xffff  }
0x64: {  	p0 =	sne.s32 s8, $0x9A00  }
.Ltmp1:
0x65: {  	_ = 	snop;
	(pc) =	sbr.rel @p0 .LBB2_3-.Ltmp1, $3  }
0x66: {  	_ =	sdelay $0x1  }
0x67: {  	[tilespmem:v2+s6+$0x0] =	vst.idx.add.f32.msk $0xffff, v1  }
0x68: {  	s8 =	sadd.s32 $0x200, s8;
	[tilespmem:v2+s7+$0x0] =	vst.idx.add.f32.msk $0xffff, v0  }
0x69: {  	v0 =	vld [tilespmem:$0x9E10];
	_ =	sdelay $0x4  }
0x6a: {  	v1 =	vld [tilespmem:$0xC520];
	_ =	sdelay $0x1  }
0x6b: {  	s3 =	simm.s32 $0x0  }
0x6c: {  	v0 =	vld.idx.msk [tilespmem:v0+s3+$0x0], $0xffff;
	_ =	sdelay $0x3  }
0x6d: {  	s24 =	smul.u32 $0x2800, s0;
	s6 =	simm.s32 $0x2710  }
0x6e: {  	s7 =	simm.s32 $0x4F10;
	[tilespmem:v1+s6+$0x0] =	vst.idx.add.f32.msk $0xffff, v0;
	v0 =	vimm.f32 $1.000000000e+00  }
0x6f: {  	s8 =	sadd.s32 s24, s5;
	[tilespmem:v1+s7+$0x0] =	vst.idx.add.f32.msk $0xffff, v0  }
0x70: {  	[spmem:s8] =	stream.linear.scatter [tilespmem:s6], [sflag:$0x1], $0x2800, $0x38;
	[tilespmem:$0x167C0] =	vst v63  }
0x71: {  	s25 =	simm.s32 $0x1;
	s3 =	sadd.s32 s24, s4  }
0x72: {  	[spmem:s3] =	stream.linear.scatter [tilespmem:s7], [sflag:$0x1], $0x2800, $0x38;
	[tilespmem:$0x167C0] =	vst v63  }
0x73: {  	_ =	swait.ge [sflag:s25], $0x2800  }
0x74: {  	[sflag:s25] =	ssyncset.done $0x0  }
0x75: {  	[sflag:s25] =	ssyncadd.s32 $0xFFFFD800  }
0x76: {  	_ =	swait.ge [sflag:s25], $0x2800  }
0x77: {  	s3 =	smul.u32 $0x280, s0;
	[sflag:s25] =	ssyncset.done $0x0  }
0x78: {  	s28 =	simm.s32 $0x280;
	s29 =	simm.s32 $0x2800;
	[sflag:s25] =	ssyncadd.s32 $0xFFFFD800  }
0x79: {  	s9 =	simm.s32 $0xC530;
	s26 =	sadd.s32 s3, s5;
	[bflag:$0x0] =	sbarrier.arrive $0xFFFF  }
0x7a: {  	[tilespmem:s9], [sflag:$0x1] =	stream.strided.gather [spmem:s26], $0x2800, s29, s28, $0x38;
	[tilespmem:$0x167C0] =	vst v63  }
0x7b: {  	s31 =	simm.s32 $0xED30;
	s30 =	sadd.s32 s3, s4  }
0x7c: {  	[tilespmem:s31], [sflag:$0x1] =	stream.strided.gather [spmem:s30], $0x2800, s29, s28, $0x38;
	[tilespmem:$0x167C0] =	vst v63  }
0x7d: {  	_ =	swait.ge [sflag:s25], $0x2800  }
0x7e: {  	[sflag:s25] =	ssyncset.done $0x0  }
0x7f: {  	s5 =	simm.s32 $0x0;
	[sflag:s25] =	ssyncadd.s32 $0xFFFFD800  }
0x80: {  	v0 =	vld [tilespmem:s5+$0xC530]  }
0x81: {  	v1 =	vld [tilespmem:s5+$0xC7B0];
	_ =	sdelay $0x1  }
0x82: {  	v2 =	vld [tilespmem:s5+$0xCA30];
	_ =	sdelay $0x1  }
0x83: {  	v3 =	vld [tilespmem:s5+$0xCCB0]  }
0x84: {  	v0 =	vadd.f32 v1, v0  }
0x85: {  	v1 =	vld [tilespmem:s5+$0xCF30]  }
0x86: {  	v0 =	vadd.f32 v2, v0  }
0x87: {  	v2 =	vld [tilespmem:s5+$0xD1B0]  }
0x88: {  	v0 =	vadd.f32 v3, v0  }
0x89: {  	v3 =	vld [tilespmem:s5+$0xD430]  }
0x8a: {  	v0 =	vadd.f32 v1, v0  }
0x8b: {  	v1 =	vld [tilespmem:s5+$0xD6B0]  }
0x8c: {  	s4 =	simm.s32 $0x10;
	v4 =	vld [tilespmem:s5+$0xD930];
	v0 =	vadd.f32 v2, v0  }
0x8d: {  	v5 =	vld [tilespmem:s4+$0xC530]  }
0x8e: {  	v2 =	vld [tilespmem:s5+$0xDBB0];
	v0 =	vadd.f32 v3, v0  }
0x8f: {  	v3 =	vld [tilespmem:s4+$0xC7B0]  }
0x90: {  	v6 =	vld [tilespmem:s4+$0xCA30];
	v0 =	vadd.f32 v1, v0  }
0x91: {  	v1 =	vld [tilespmem:s5+$0xDE30]  }
0x92: {  	v7 =	vld [tilespmem:s4+$0xCCB0];
	v0 =	vadd.f32 v4, v0  }
0x93: {  	v4 =	vld [tilespmem:s5+$0xE0B0]  }
0x94: {  	v3 =	vadd.f32 v3, v5;
	v5 =	vld [tilespmem:s4+$0xCF30];
	v0 =	vadd.f32 v2, v0  }
0x95: {  	v2 =	vld [tilespmem:s5+$0xE330]  }
0x96: {  	v3 =	vadd.f32 v6, v3;
	v6 =	vld [tilespmem:s4+$0xD1B0];
	v0 =	vadd.f32 v1, v0  }
0x97: {  	v1 =	vld [tilespmem:s5+$0xE5B0]  }
0x98: {  	v8 =	vld [tilespmem:s4+$0xD430];
	v3 =	vadd.f32 v7, v3;
	v0 =	vadd.f32 v4, v0  }
0x99: {  	v7 =	vld [tilespmem:s5+$0xE830]  }
0x9a: {  	v4 =	vadd.f32 v5, v3;
	v3 =	vld [tilespmem:s4+$0xD6B0];
	v5 =	vadd.f32 v2, v0  }
0x9b: {  	v2 =	vld [tilespmem:s5+$0xEAB0]  }
0x9c: {  	v0 =	vld [tilespmem:s4+$0xDBB0];
	v6 =	vadd.f32 v6, v4;
	v9 =	vadd.f32 v1, v5  }
0x9d: {  	s6 =	simm.s32 $0x20;
	v4 =	vld [tilespmem:s4+$0xD930]  }
0x9e: {  	s7 =	simm.s32 $0xC0;
	v1 =	vld [tilespmem:s6+$0xC530];
	v5 =	vadd.f32 v8, v6;
	v6 =	vadd.f32 v7, v9  }
.LBB2_5:
0x9f: {  	p0 =	sne.s32 s7, $0x9C0;
	v7 =	vld [tilespmem:s6+$0xC7B0]  }
0xa0: {  	v3 =	vadd.f32 v3, v5;
	v5 =	vld [tilespmem:s4+$0xDE30];
	v2 =	vadd.f32 v2, v6  }
0xa1: {  	v6 =	vld [tilespmem:s6+$0xCA30]  }
0xa2: {  	v3 =	vadd.f32 v4, v3;
	v4 =	vld [tilespmem:s4+$0xE0B0];
	[tilespmem:s5+$0x11530] =	vst v2;
	s5 =	smov.u32 s4;
	s4 =	smov.u32 s6  }
0xa3: {  	v2 =	vld [tilespmem:s4+$0xCCB0]  }
0xa4: {  	v1 =	vadd.f32 v7, v1;
	v0 =	vadd.f32 v0, v3;
	v3 =	vld [tilespmem:s5+$0xE330]  }
0xa5: {  	v7 =	vld [tilespmem:s4+$0xCF30]  }
0xa6: {  	v1 =	vadd.f32 v6, v1;
	v0 =	vadd.f32 v5, v0;
	v5 =	vld [tilespmem:s5+$0xE5B0]  }
0xa7: {  	v6 =	vld [tilespmem:s4+$0xD1B0]  }
0xa8: {  	v1 =	vadd.f32 v2, v1;
	v0 =	vadd.f32 v4, v0;
	v8 =	vld [tilespmem:s5+$0xE830]  }
0xa9: {  	v9 =	vld [tilespmem:s4+$0xD430]  }
.Ltmp2:
0xaa: {  	v1 =	vadd.f32 v7, v1;
	v4 =	vadd.f32 v3, v0;
	v2 =	vld [tilespmem:s5+$0xEAB0];
	(pc) =	sbr.rel @p0 .LBB2_5-.Ltmp2, $4  }
0xab: {  	v3 =	vld [tilespmem:s4+$0xD6B0]  }
0xac: {  	v6 =	vadd.f32 v6, v1;
	v0 =	vld [tilespmem:s4+$0xDBB0];
	v7 =	vadd.f32 v5, v4  }
0xad: {  	s6 =	sshra.s32 s7, $0x2;
	v4 =	vld [tilespmem:s4+$0xD930]  }
0xae: {  	s7 =	sadd.s32 $0x40, s7;
	v1 =	vld [tilespmem:s6+$0xC530];
	v5 =	vadd.f32 v9, v6;
	v6 =	vadd.f32 v8, v7  }
0xaf: {  	v7 =	vld [tilespmem:s6+$0xC7B0]  }
0xb0: {  	v8 =	vld [tilespmem:s4+$0xDE30];
	v2 =	vadd.f32 v2, v6  }
0xb1: {  	v6 =	vld [tilespmem:s6+$0xCA30]  }
0xb2: {  	v9 =	vld [tilespmem:s4+$0xE0B0];
	v3 =	vadd.f32 v3, v5;
	[tilespmem:s5+$0x11530] =	vst v2  }
0xb3: {  	v2 =	vld [tilespmem:s6+$0xCCB0]  }
0xb4: {  	v3 =	vadd.f32 v4, v3;
	v1 =	vadd.f32 v7, v1  }
0xb5: {  	v4 =	vld [tilespmem:s6+$0xCF30]  }
0xb6: {  	v5 =	vld [tilespmem:s6+$0xD1B0];
	v0 =	vadd.f32 v0, v3;
	v1 =	vadd.f32 v6, v1  }
0xb7: {  	v3 =	vld [tilespmem:s4+$0xE330]  }
0xb8: {  	v0 =	vadd.f32 v8, v0;
	v6 =	vld [tilespmem:s4+$0xE5B0];
	v1 =	vadd.f32 v2, v1  }
0xb9: {  	v2 =	vld [tilespmem:s6+$0xD430]  }
0xba: {  	v7 =	vld [tilespmem:s4+$0xE830];
	v0 =	vadd.f32 v9, v0;
	v1 =	vadd.f32 v4, v1  }
0xbb: {  	v4 =	vld [tilespmem:s6+$0xD6B0]  }
0xbc: {  	v0 =	vadd.f32 v3, v0;
	v3 =	vld [tilespmem:s4+$0xEAB0];
	v1 =	vadd.f32 v5, v1  }
0xbd: {  	v5 =	vld [tilespmem:s6+$0xD930]  }
0xbe: {  	v0 =	vadd.f32 v6, v0;
	v1 =	vadd.f32 v2, v1  }
0xbf: {  	v2 =	vld [tilespmem:s6+$0xDBB0]  }
0xc0: {  	v0 =	vadd.f32 v7, v0;
	v1 =	vadd.f32 v4, v1  }
0xc1: {  	v4 =	vld [tilespmem:s6+$0xDE30]  }
0xc2: {  	v0 =	vadd.f32 v3, v0;
	v1 =	vadd.f32 v5, v1  }
0xc3: {  	v3 =	vld [tilespmem:s6+$0xE0B0]  }
0xc4: {  	[tilespmem:s4+$0x11530] =	vst v0;
	v0 =	vadd.f32 v2, v1  }
0xc5: {  	v1 =	vld [tilespmem:s6+$0xE330]  }
0xc6: {  	v0 =	vadd.f32 v4, v0  }
0xc7: {  	v2 =	vld [tilespmem:s6+$0xE5B0]  }
0xc8: {  	v0 =	vadd.f32 v3, v0  }
0xc9: {  	v3 =	vld [tilespmem:s6+$0xE830]  }
0xca: {  	v0 =	vadd.f32 v1, v0  }
0xcb: {  	v1 =	vld [tilespmem:s6+$0xEAB0]  }
0xcc: {  	v0 =	vadd.f32 v2, v0;
	_ =	sdelay $0x1  }
0xcd: {  	v0 =	vadd.f32 v3, v0;
	_ =	sdelay $0x1  }
0xce: {  	v0 =	vadd.f32 v1, v0;
	_ =	sdelay $0x1  }
0xcf: {  	s31 =	simm.s32 $0x1;
	[tilespmem:s6+$0x11530] =	vst v0  }
0xd0: {  	_ =	swait.ge [sflag:s31], $0x2800  }
0xd1: {  	[sflag:s31] =	ssyncset.done $0x0  }
0xd2: {  	s5 =	simm.s32 $0x0;
	[sflag:s31] =	ssyncadd.s32 $0xFFFFD800  }
0xd3: {  	v0 =	vld [tilespmem:s5+$0xED30]  }
0xd4: {  	v1 =	vld [tilespmem:s5+$0xEFB0];
	_ =	sdelay $0x1  }
0xd5: {  	v2 =	vld [tilespmem:s5+$0xF230];
	_ =	sdelay $0x1  }
0xd6: {  	v3 =	vld [tilespmem:s5+$0xF4B0]  }
0xd7: {  	v0 =	vadd.f32 v1, v0  }
0xd8: {  	v1 =	vld [tilespmem:s5+$0xF730]  }
0xd9: {  	v0 =	vadd.f32 v2, v0  }
0xda: {  	v2 =	vld [tilespmem:s5+$0xF9B0]  }
0xdb: {  	v0 =	vadd.f32 v3, v0  }
0xdc: {  	v3 =	vld [tilespmem:s5+$0xFC30]  }
0xdd: {  	v1 =	vadd.f32 v1, v0  }
0xde: {  	s4 =	simm.s32 $0x10;
	v4 =	vld [tilespmem:s5+$0xFEB0]  }
0xdf: {  	v5 =	vld [tilespmem:s4+$0xED30];
	v1 =	vadd.f32 v2, v1  }
0xe0: {  	v2 =	vld [tilespmem:s5+$0x10130]  }
0xe1: {  	v6 =	vld [tilespmem:s4+$0xEFB0];
	v1 =	vadd.f32 v3, v1  }
0xe2: {  	v3 =	vld [tilespmem:s5+$0x103B0]  }
0xe3: {  	v7 =	vld [tilespmem:s4+$0xF230];
	v1 =	vadd.f32 v4, v1  }
0xe4: {  	v4 =	vld [tilespmem:s5+$0x10630]  }
0xe5: {  	v8 =	vld [tilespmem:s4+$0xF4B0];
	v1 =	vadd.f32 v2, v1  }
0xe6: {  	v2 =	vld [tilespmem:s5+$0x108B0]  }
0xe7: {  	v63 =	vld [tilespmem:s5+$0x10DB0];
	v1 =	vadd.f32 v3, v1  }
0xe8: {  	v5 =	vadd.f32 v6, v5;
	v3 =	vld [tilespmem:s5+$0x10B30]  }
0xe9: {  	v1 =	vadd.f32 v4, v1;
	v4 =	vld [tilespmem:s4+$0xF730]  }
0xea: {  	v6 =	vld [tilespmem:s4+$0xF9B0];
	v5 =	vadd.f32 v7, v5  }
0xeb: {  	v7 =	vld [tilespmem:s4+$0xFC30];
	v1 =	vadd.f32 v2, v1  }
0xec: {  	v5 =	vadd.f32 v8, v5;
	v2 =	vld [tilespmem:s5+$0x11030]  }
0xed: {  	v8 =	vld [tilespmem:s5+$0x112B0];
	v1 =	vadd.f32 v3, v1  }
0xee: {  	v0 =	vld.msk [tilespmem:$0x117B0 ss:$0x0], $0xffff;
	v4 =	vadd.f32 v4, v5  }
0xef: {  	v3 =	vld [tilespmem:s4+$0xFEB0];
	v5 =	vadd.f32 v63, v1  }
0xf0: {  	v1 =	vld [tilespmem:s4+$0x10DB0];
	v6 =	vadd.f32 v6, v4  }
0xf1: {  	v4 =	vld [tilespmem:s4+$0x10130];
	v9 =	vadd.f32 v2, v5  }
0xf2: {  	s6 =	simm.s32 $0x20;
	v2 =	vld [tilespmem:s4+$0x103B0];
	v6 =	vadd.f32 v7, v6  }
0xf3: {  	s7 =	simm.s32 $0xC0;
	v5 =	vld [tilespmem:s6+$0xED30];
	v7 =	vadd.f32 v8, v9  }
.LBB2_7:
0xf4: {  	p0 =	sne.s32 s7, $0x9C0;
	v8 =	vld [tilespmem:s6+$0xEFB0];
	v3 =	vadd.f32 v3, v6;
	s8 =	smov.u32 s6  }
0xf5: {  	v6 =	vld [tilespmem:s4+$0x10630];
	v7 =	vmax.f32 v7, $1.000000000e+00  }
0xf6: {  	v9 =	vld [tilespmem:s8+$0xF230];
	v3 =	vadd.f32 v4, v3;
	(erf) = vrcp.f32 v7  }
0xf7: {  	v4 =	vld [tilespmem:s4+$0x108B0]  }
0xf8: {  	v7 =	vld [tilespmem:s8+$0xF4B0];
	v2 =	vadd.f32 v2, v3  }
0xf9: {  	v3 =	vadd.f32 v8, v5;
	v5 =	vld [tilespmem:s4+$0x10B30]  }
0xfa: {  	v8 =	vld [tilespmem:s8+$0xF730];
	v2 =	vadd.f32 v6, v2  }
0xfb: {  	v3 =	vadd.f32 v9, v3;
	v6 =	vld [tilespmem:s5+$0x11530]  }
0xfc: {  	v9 =	vld [tilespmem:s8+$0xF9B0];
	v2 =	vadd.f32 v4, v2  }
0xfd: {  	v3 =	vadd.f32 v7, v3;
	v7 =	vld [tilespmem:s4+$0x11030]  }
0xfe: {  	v10 =	vld [tilespmem:s8+$0xFC30];
	v2 =	vadd.f32 v5, v2  }
0xff: {  	v4 =	vadd.f32 v8, v3;
	v8 =	vld [tilespmem:s4+$0x112B0];
	v5 =	vpop (erf)  }
.Ltmp3:
0x100: {  	v3 =	vld [tilespmem:s8+$0xFEB0];
	v2 =	vadd.f32 v1, v2;
	v5 =	vmul.f32 v5, v6;
	(pc) =	sbr.rel @p0 .LBB2_7-.Ltmp3, $4  }
0x101: {  	v6 =	vadd.f32 v9, v4;
	v1 =	vld [tilespmem:s8+$0x10DB0]  }
0x102: {  	v4 =	vld [tilespmem:s8+$0x10130];
	v7 =	vadd.f32 v7, v2;
	v9 =	vadd.f32 v5, v0  }
0x103: {  	s6 =	sshra.s32 s7, $0x2;
	v6 =	vadd.f32 v10, v6;
	v2 =	vld [tilespmem:s8+$0x103B0]  }
0x104: {  	s7 =	sadd.s32 $0x40, s7;
	v5 =	vld [tilespmem:s6+$0xED30];
	v7 =	vadd.f32 v8, v7;
	[tilespmem:s5+$0x11530] =	vst v9;
	s5 =	smov.u32 s4;
	s4 =	smov.u32 s8  }
0x105: {  	v8 =	vld [tilespmem:s6+$0xEFB0];
	_ =	sdelay $0x1  }
0x106: {  	v9 =	vld [tilespmem:s6+$0xF230];
	v7 =	vmax.f32 v7, $1.000000000e+00  }
0x107: {  	(erf) = vrcp.f32 v7  }
0x108: {  	v41 =	vld [tilespmem:s6+$0xF4B0]  }
0x109: {  	v10 =	vld [tilespmem:s4+$0x10630];
	v5 =	vadd.f32 v8, v5  }
0x10a: {  	v3 =	vadd.f32 v3, v6;
	v42 =	vld [tilespmem:s6+$0xF730]  }
0x10b: {  	v43 =	vld [tilespmem:s5+$0x11530];
	v5 =	vadd.f32 v9, v5  }
0x10c: {  	v44 =	vld [tilespmem:s6+$0xF9B0];
	v3 =	vadd.f32 v4, v3  }
0x10d: {  	v11 =	vld [tilespmem:s4+$0x108B0];
	v5 =	vadd.f32 v41, v5  }
0x10e: {  	v46 =	vld [tilespmem:s6+$0xFC30];
	v2 =	vadd.f32 v2, v3  }
0x10f: {  	v45 =	vld [tilespmem:s4+$0x10B30];
	v5 =	vadd.f32 v42, v5  }
0x110: {  	v49 =	vld [tilespmem:s6+$0xFEB0];
	v2 =	vadd.f32 v10, v2;
	v48 =	vpop (erf)  }
0x111: {  	v47 =	vld [tilespmem:s4+$0x11030];
	v6 =	vmul.f32 v48, v43;
	v4 =	vadd.f32 v44, v5  }
0x112: {  	v51 =	vld [tilespmem:s6+$0x10130];
	v2 =	vadd.f32 v11, v2  }
0x113: {  	v50 =	vld [tilespmem:s4+$0x112B0];
	v6 =	vadd.f32 v6, v0;
	v3 =	vadd.f32 v46, v4  }
0x114: {  	v53 =	vld [tilespmem:s6+$0x103B0]  }
0x115: {  	v52 =	vld [tilespmem:s6+$0x10DB0];
	v2 =	vadd.f32 v45, v2;
	[tilespmem:s5+$0x11530] =	vst v6;
	v3 =	vadd.f32 v49, v3  }
0x116: {  	v6 =	vld [tilespmem:s6+$0x10630]  }
0x117: {  	v1 =	vadd.f32 v1, v2;
	v54 =	vadd.f32 v51, v3  }
0x118: {  	v55 =	vld [tilespmem:s6+$0x108B0]  }
0x119: {  	v1 =	vadd.f32 v47, v1;
	v2 =	vadd.f32 v53, v54  }
0x11a: {  	v56 =	vld [tilespmem:s6+$0x10B30]  }
0x11b: {  	v1 =	vadd.f32 v50, v1;
	v2 =	vadd.f32 v6, v2;
	_ =	sdelay $0x1  }
0x11c: {  	v1 =	vmax.f32 v1, $1.000000000e+00;
	v2 =	vadd.f32 v55, v2  }
0x11d: {  	v57 =	vld [tilespmem:s6+$0x11030];
	(erf) = vrcp.f32 v1  }
0x11e: {  	v2 =	vadd.f32 v56, v2  }
0x11f: {  	v58 =	vld [tilespmem:s6+$0x112B0]  }
0x120: {  	v2 =	vadd.f32 v52, v2;
	_ =	sdelay $0x1  }
0x121: {  	v59 =	vld [tilespmem:s4+$0x11530];
	v1 =	vadd.f32 v57, v2;
	_ =	sdelay $0x1  }
0x122: {  	v1 =	vadd.f32 v58, v1;
	_ =	sdelay $0x1  }
0x123: {  	v60 =	vpop (erf);
	v1 =	vmax.f32 v1, $1.000000000e+00  }
0x124: {  	v2 =	vmul.f32 v60, v59;
	(erf) = vrcp.f32 v1;
	_ =	sdelay $0x1  }
0x125: {  	v61 =	vadd.f32 v2, v0;
	_ =	sdelay $0x1  }
0x126: {  	[tilespmem:s4+$0x11530] =	vst v61  }
0x127: {  	v1 =	vld [tilespmem:s6+$0x11530];
	_ =	sdelay $0x3  }
0x128: {  	v62 =	vpop (erf)  }
0x129: {  	v1 =	vmul.f32 v62, v1;
	_ =	sdelay $0x1  }
0x12a: {  	v63 =	vadd.f32 v1, v0  }
0x12b: {  	p0 =	seq.s32 s0, $0xF  }
0x12c: {  	s5 =	simm.s32 @p0 $0x0;
	s4 =	sadd.s32 @p0 $0x4B0, s2;
	[tilespmem:s6+$0x11530] =	vst v63;
	s6 =	simm.s32 @p0 $0x11530  }
0x12d: {  	[hbm4b:s4+s5] =	stream.linear.scatter @p0 [tilespmem:s6], [sflag:$0x2], $0x190, $0x38;
	[tilespmem:$0x167C0] =	vst v63  }
0x12e: {  	s4 =	simm.s32 @p0 $0x2  }
0x12f: {  	s3 =	sshrl.u32 @!p0 s3, $0x3;
	_ =	swait.ge @p0 [sflag:s4], $0x190  }
0x130: {  	s2 =	sadd.s32 @!p0 s2, s3;
	[sflag:s4] =	ssyncset.done @p0 $0x0  }
0x131: {  	s3 =	simm.s32 @!p0 $0x0;
	[sflag:s4] =	ssyncadd.s32 @p0 $0xFFFFFE70;
	s4 =	simm.s32 @!p0 $0x11530  }
0x132: {  	[hbm4b:s2+s3] =	stream.linear.scatter @!p0 [tilespmem:s4], [sflag:$0x2], $0x280, $0x38;
	[tilespmem:$0x167C0] =	vst v63  }
0x133: {  	s2 =	simm.s32 @!p0 $0x2  }
0x134: {  	_ =	swait.ge @!p0 [sflag:s2], $0x280  }
0x135: {  	[sflag:s2] =	ssyncset.done @!p0 $0x0  }
0x136: {  	[sflag:s2] =	ssyncadd.s32 @!p0 $0xFFFFFD80  }
0x137: {  	_ =	sfence.sel $0x180000  }
0x138: {  	[bflag:$0x0] =	sbarrier.arrive $0xFFFF  }
0x139: {  	p0 =	sne.s32 s0, $0x0;
	_ =	strace $0x90000047  }
0x13a: {  	s0 =	sadd.s32 @!p0 $0x100000, s1;
	[bflag:$0x2] =	sbarrier.arrive $0xFFFF  }
0x13b: {  	[sflag:s0] =	ssyncadd.tile.s32 @!p0 $0x1;
	_ =	shalt  }
.Lfunc_end2:
_tile_overlayer_lowered:
.L_overlay_start_2:
0x13c: {  	(tag) =	ssettag $0x2  }
0x13d: {  	s0 =	rddreg [dreg:$0x0];
	s2 =	stileid.u32  }
0x13e: {  	s1 =	rddreg [dreg:$0x1];
	p0 =	sne.s32 s2, $0x0  }
0x13f: {  	s3 =	rddreg [dreg:$0x2];
	[bflag:$0x3] =	sbarrier.arrive $0xFFFF;
	s2 =	simm.s32 @!p0 $0x1C02  }
0x140: {  	[timem:s3], [sflag:s2] =	dma.local @!p0 [hbm:s0], s1  }
0x141: {  	s0 =	simm.s32 @!p0 $0x2  }
0x142: {  	_ =	swait.ge @!p0 [sflag:s0], s1  }
0x143: {  	s1 =	ssub.s32 @!p0 $0x0, s1;
	[sflag:s0] =	ssyncset.done @!p0 $0x0  }
0x144: {  	[sflag:s0] =	ssyncadd.s32 @!p0 s1  }
0x145: {  	[bflag:$0x3] =	sbarrier.arrive $0xFFFF  }
0x146: {  	_ =	shalt  }

</sc_bundles>
